<compile_context>
chip_gen: v7x
topology: tpu7x:2x2x1
jax: 0.10.2.dev20260603
libtpu: 0.0.44.dev20260713+nightly
codegen_flags: <defaults>
</compile_context>

<pallas_src>
import functools

import jax
import jax.numpy as jnp
from jax import lax
from jax.experimental import pallas as pl
from jax.experimental.pallas import tpu as pltpu
from jax.experimental.pallas import tpu_sc as plsc

_NUM_CORES = 2
_NUM_SUBCORES = 16
_NW = _NUM_CORES * _NUM_SUBCORES
_OPC = 4
_NBUF = 2


@functools.lru_cache(maxsize=None)
def _make_gather(bi, bj, m, d):
  assert bi % (_NW * _OPC) == 0
  o_per_w = bi // _NW
  n_chunks = o_per_w // _OPC
  mesh = plsc.VectorSubcoreMesh(core_axis_name="c", subcore_axis_name="s")

  @functools.partial(
      pl.kernel,
      mesh=mesh,
      out_type=jax.ShapeDtypeStruct((bi, bj, d), jnp.float32),
      compiler_params=pltpu.CompilerParams(use_tc_tiling_on_sc=False,
                                           skip_device_barrier=True),
      scratch_types=[
          pltpu.VMEM((_NBUF, _OPC, bj), jnp.int32),
          pltpu.VMEM((_NBUF, _OPC, bj, d), jnp.float32),
      ] + [pltpu.SemaphoreType.DMA] * (3 * _NBUF),
  )
  def gather_kernel(table_hbm, x_hbm, out_hbm, idx_v, rows_v, *sems):
    wid = lax.axis_index("s") * _NUM_CORES + lax.axis_index("c")
    obase = wid * o_per_w
    isems = sems[0:_NBUF]
    gsems = sems[_NBUF:2 * _NBUF]
    osems = sems[2 * _NBUF:]

    def start_idx(c, b):
      pltpu.async_copy(x_hbm.at[pl.ds(obase + c * _OPC, _OPC)],
                       idx_v.at[b], isems[b])

    def wait_idx(b):
      pltpu.make_async_copy(x_hbm.at[pl.ds(0, _OPC)], idx_v.at[b],
                            isems[b]).wait()

    def start_gather(b):
      for k in range(_OPC):
        pltpu.async_copy(table_hbm.at[idx_v.at[b, k]], rows_v.at[b, k],
                         gsems[b])

    def wait_gather(b):
      for k in range(_OPC):
        pltpu.make_async_copy(table_hbm.at[idx_v.at[b, k]], rows_v.at[b, k],
                              gsems[b]).wait()

    def start_out(c, b):
      pltpu.async_copy(rows_v.at[b], out_hbm.at[pl.ds(obase + c * _OPC, _OPC)],
                       osems[b])

    def wait_out(b):
      pltpu.make_async_copy(rows_v.at[b], out_hbm.at[pl.ds(0, _OPC)],
                            osems[b]).wait()

    start_idx(0, 0)
    start_idx(1, 1)
    wait_idx(0)
    start_gather(0)
    wait_idx(1)
    start_gather(1)

    @pl.loop(0, n_chunks, step=_NBUF)
    def _(g):
      for b in range(_NBUF):
        c = g + b
        wait_gather(b)
        start_out(c, b)

        @pl.when(c + _NBUF < n_chunks)
        def _():
          start_idx(c + _NBUF, b)
          wait_idx(b)
          wait_out(b)
          start_gather(b)

    wait_out(0)
    wait_out(1)

  return gather_kernel


def kernel(x, table):
  bi, bj = x.shape
  m, d = table.shape
  return _make_gather(bi, bj, m, d)(table, x.astype(jnp.int32))

# --- scband reference (transcript-rebuilt; emitter-appended) ---
"""Pipeline reference for scband-gnn-16887811408292 (READ-ONLY COPY).

The authoritative reference and input builder live on the scoring server;
editing this copy changes nothing except your own understanding.
"""

import jax, jax.numpy as jnp
import numpy as np

M = 1000000
EMB_DIM = 200

def setup_inputs(seed: int = 0) -> dict:
    key = jax.random.key(seed)
    k_idx, k_tab = jax.random.split(key)
    x = jax.random.randint(k_idx, (16384, 50), 0, M, dtype=jnp.int64)
    table = jax.random.normal(k_tab, (M, EMB_DIM), dtype=jnp.float32)
    return {"x": x, "table": table}

def reference(x, table):
    # nn.Embedding forward: gather rows of the table by index
    return jnp.take(table, x, axis=0)

if __name__ == "__main__":
    import jax
    _d = setup_inputs()
    print(jax.jit(kernel)(*tuple(_d.values())))

</pallas_src>

<mosaic_0001>
#map = affine_map<(d0, d1) -> (0, 0)>
#map1 = affine_map<(d0, d1) -> (0, 0, 0)>
module attributes {stable_mosaic.version = 14 : i64} {
  func.func @gather_kernel(%arg0: i32, %arg1: i32, %arg2: memref<1000000x200xf32, #tpu.memory_space<hbm>>, %arg3: memref<16384x50xi32, #tpu.memory_space<hbm>>, %arg4: memref<16384x50x200xf32, #tpu.memory_space<hbm>>, %arg5: memref<2x4x50xi32, #tpu.memory_space<vmem>>, %arg6: memref<2x4x50x200xf32, #tpu.memory_space<vmem>>, %arg7: memref<!tpu.dma_semaphore, #tpu.memory_space<semaphore_mem>>, %arg8: memref<!tpu.dma_semaphore, #tpu.memory_space<semaphore_mem>>, %arg9: memref<!tpu.dma_semaphore, #tpu.memory_space<semaphore_mem>>, %arg10: memref<!tpu.dma_semaphore, #tpu.memory_space<semaphore_mem>>, %arg11: memref<!tpu.dma_semaphore, #tpu.memory_space<semaphore_mem>>, %arg12: memref<!tpu.dma_semaphore, #tpu.memory_space<semaphore_mem>>) attributes {dimension_semantics = [#tpu.dimension_semantics<core_parallel>, #tpu.dimension_semantics<subcore_parallel>], iteration_bounds = array<i64: 2, 16>, scalar_prefetch = 0 : i64, scratch_operands = 8 : i64, tpu.core_type = #tpu.core_type<sc_vector_subcore>, window_params = [{transform_indices = #map}, {transform_indices = #map}, {transform_indices = #map1}]} {
    %mul3A = arith.constant 2 : i32
    %mul3A_0 = arith.muli %arg1, %mul3A : i32
    %add3A = arith.addi %mul3A_0, %arg0 : i32
    %mul3A_1 = arith.constant 512 : i32
    %mul3A_2 = arith.muli %add3A, %mul3A_1 : i32
    %add3A_3 = arith.constant 0 : i32
    %add3A_4 = arith.addi %mul3A_2, %add3A_3 : i32
    %dma_start3A = arith.constant 0 : i32
    %dma_start3A_5 = arith.constant 0 : i32
    %dma_start3A_6 = arith.constant 0 : i32
    %dma_start3A_7 = tpu.memref_slice %arg5[%dma_start3A, %dma_start3A_5, %dma_start3A_6] : memref<2x4x50xi32, #tpu.memory_space<vmem>> -> memref<1x4x50xi32, #tpu.memory_space<vmem>>
    %dma_start3A_8 = tpu.memref_squeeze %dma_start3A_7 : memref<1x4x50xi32, #tpu.memory_space<vmem>> -> memref<4x50xi32, #tpu.memory_space<vmem>>
    %dma_start3A_9 = arith.constant 0 : i32
    %dma_start3A_10 = tpu.memref_slice %arg3[%add3A_4, %dma_start3A_9] : memref<16384x50xi32, #tpu.memory_space<hbm>> -> memref<4x50xi32, #tpu.memory_space<hbm>>
    %dma_start3A_11 = arith.constant 0 : i32
    %dma_start3A_12 = arith.constant 0 : i32
    %dma_start3A_13 = tpu.memref_slice %arg5[%dma_start3A, %dma_start3A_11, %dma_start3A_12] : memref<2x4x50xi32, #tpu.memory_space<vmem>> -> memref<1x4x50xi32, #tpu.memory_space<vmem>>
    %dma_start3A_14 = tpu.memref_squeeze %dma_start3A_13 : memref<1x4x50xi32, #tpu.memory_space<vmem>> -> memref<4x50xi32, #tpu.memory_space<vmem>>
    %dma_start3A_15 = arith.constant 0 : i32
    %dma_start3A_16 = tpu.memref_slice %arg3[%add3A_4, %dma_start3A_15] : memref<16384x50xi32, #tpu.memory_space<hbm>> -> memref<4x50xi32, #tpu.memory_space<hbm>>
    tpu.enqueue_dma source(%dma_start3A_16 : memref<4x50xi32, #tpu.memory_space<hbm>>) target(%dma_start3A_14 : memref<4x50xi32, #tpu.memory_space<vmem>>) target_semaphore(%arg7 : memref<!tpu.dma_semaphore, #tpu.memory_space<semaphore_mem>>)
    %add3A_17 = arith.constant 4 : i32
    %add3A_18 = arith.addi %mul3A_2, %add3A_17 : i32
    %dma_start3A_19 = arith.constant 1 : i32
    %dma_start3A_20 = arith.constant 0 : i32
    %dma_start3A_21 = arith.constant 0 : i32
    %dma_start3A_22 = tpu.memref_slice %arg5[%dma_start3A_19, %dma_start3A_20, %dma_start3A_21] : memref<2x4x50xi32, #tpu.memory_space<vmem>> -> memref<1x4x50xi32, #tpu.memory_space<vmem>>
    %dma_start3A_23 = tpu.memref_squeeze %dma_start3A_22 : memref<1x4x50xi32, #tpu.memory_space<vmem>> -> memref<4x50xi32, #tpu.memory_space<vmem>>
    %dma_start3A_24 = arith.constant 0 : i32
    %dma_start3A_25 = tpu.memref_slice %arg3[%add3A_18, %dma_start3A_24] : memref<16384x50xi32, #tpu.memory_space<hbm>> -> memref<4x50xi32, #tpu.memory_space<hbm>>
    %dma_start3A_26 = arith.constant 0 : i32
    %dma_start3A_27 = arith.constant 0 : i32
    %dma_start3A_28 = tpu.memref_slice %arg5[%dma_start3A_19, %dma_start3A_26, %dma_start3A_27] : memref<2x4x50xi32, #tpu.memory_space<vmem>> -> memref<1x4x50xi32, #tpu.memory_space<vmem>>
    %dma_start3A_29 = tpu.memref_squeeze %dma_start3A_28 : memref<1x4x50xi32, #tpu.memory_space<vmem>> -> memref<4x50xi32, #tpu.memory_space<vmem>>
    %dma_start3A_30 = arith.constant 0 : i32
    %dma_start3A_31 = tpu.memref_slice %arg3[%add3A_18, %dma_start3A_30] : memref<16384x50xi32, #tpu.memory_space<hbm>> -> memref<4x50xi32, #tpu.memory_space<hbm>>
    tpu.enqueue_dma source(%dma_start3A_31 : memref<4x50xi32, #tpu.memory_space<hbm>>) target(%dma_start3A_29 : memref<4x50xi32, #tpu.memory_space<vmem>>) target_semaphore(%arg8 : memref<!tpu.dma_semaphore, #tpu.memory_space<semaphore_mem>>)
    %dma_wait3A = arith.constant 0 : i32
    %dma_wait3A_32 = arith.constant 0 : i32
    %dma_wait3A_33 = arith.constant 0 : i32
    %dma_wait3A_34 = tpu.memref_slice %arg5[%dma_wait3A, %dma_wait3A_32, %dma_wait3A_33] : memref<2x4x50xi32, #tpu.memory_space<vmem>> -> memref<1x4x50xi32, #tpu.memory_space<vmem>>
    %dma_wait3A_35 = tpu.memref_squeeze %dma_wait3A_34 : memref<1x4x50xi32, #tpu.memory_space<vmem>> -> memref<4x50xi32, #tpu.memory_space<vmem>>
    %dma_wait3A_36 = arith.constant 0 : i32
    %dma_wait3A_37 = arith.constant 0 : i32
    %dma_wait3A_38 = tpu.memref_slice %arg3[%dma_wait3A_36, %dma_wait3A_37] : memref<16384x50xi32, #tpu.memory_space<hbm>> -> memref<4x50xi32, #tpu.memory_space<hbm>>
    %dma_wait3A_39 = arith.constant 0 : i32
    %dma_wait3A_40 = arith.constant 0 : i32
    %dma_wait3A_41 = tpu.memref_slice %arg5[%dma_wait3A, %dma_wait3A_39, %dma_wait3A_40] : memref<2x4x50xi32, #tpu.memory_space<vmem>> -> memref<1x4x50xi32, #tpu.memory_space<vmem>>
    %dma_wait3A_42 = tpu.memref_squeeze %dma_wait3A_41 : memref<1x4x50xi32, #tpu.memory_space<vmem>> -> memref<4x50xi32, #tpu.memory_space<vmem>>
    %dma_wait3A_43 = arith.constant 0 : i32
    %dma_wait3A_44 = arith.constant 0 : i32
    %dma_wait3A_45 = tpu.memref_slice %arg3[%dma_wait3A_43, %dma_wait3A_44] : memref<16384x50xi32, #tpu.memory_space<hbm>> -> memref<4x50xi32, #tpu.memory_space<hbm>>
    tpu.wait_dma2 semaphore(%arg7 : memref<!tpu.dma_semaphore, #tpu.memory_space<semaphore_mem>>) src(%dma_wait3A_45 : memref<4x50xi32, #tpu.memory_space<hbm>>) dst(%dma_wait3A_42 : memref<4x50xi32, #tpu.memory_space<vmem>>)
    %dma_start3A_46 = arith.constant 0 : i32
    %dma_start3A_47 = arith.constant 0 : i32
    %dma_start3A_48 = arith.constant 0 : i32
    %dma_start3A_49 = arith.constant 0 : i32
    %dma_start3A_50 = arith.constant 0 : i32
    %dma_start3A_51 = arith.constant 0 : i32
    %dma_start3A_52 = tpu.memref_slice %arg6[%dma_start3A_48, %dma_start3A_49, %dma_start3A_50, %dma_start3A_51] : memref<2x4x50x200xf32, #tpu.memory_space<vmem>> -> memref<1x1x50x200xf32, #tpu.memory_space<vmem>>
    %dma_start3A_53 = tpu.memref_squeeze %dma_start3A_52 : memref<1x1x50x200xf32, #tpu.memory_space<vmem>> -> memref<50x200xf32, #tpu.memory_space<vmem>>
    %dma_start3A_54 = arith.constant 0 : i32
    %dma_start3A_55 = tpu.memref_slice %arg5[%dma_start3A_46, %dma_start3A_47, %dma_start3A_54] : memref<2x4x50xi32, #tpu.memory_space<vmem>> -> memref<1x1x50xi32, #tpu.memory_space<vmem>>
    %dma_start3A_56 = tpu.memref_squeeze %dma_start3A_55 : memref<1x1x50xi32, #tpu.memory_space<vmem>> -> memref<50xi32, #tpu.memory_space<vmem>>
    %dma_start3A_57 = arith.constant 0 : i32
    %dma_start3A_58 = arith.constant 0 : i32
    %dma_start3A_59 = tpu.memref_slice %arg2[%dma_start3A_57, %dma_start3A_58] : memref<1000000x200xf32, #tpu.memory_space<hbm>> -> memref<1000000x200xf32, #tpu.memory_space<hbm>>
    tpu.enqueue_indirect_dma source(%dma_start3A_59 : memref<1000000x200xf32, #tpu.memory_space<hbm>>) target(%dma_start3A_53 : memref<50x200xf32, #tpu.memory_space<vmem>>) offsets(%dma_start3A_56 : memref<50xi32, #tpu.memory_space<vmem>>) semaphore(%arg9 : memref<!tpu.dma_semaphore, #tpu.memory_space<semaphore_mem>>)
    %dma_start3A_60 = arith.constant 0 : i32
    %dma_start3A_61 = arith.constant 1 : i32
    %dma_start3A_62 = arith.constant 0 : i32
    %dma_start3A_63 = arith.constant 1 : i32
    %dma_start3A_64 = arith.constant 0 : i32
    %dma_start3A_65 = arith.constant 0 : i32
    %dma_start3A_66 = tpu.memref_slice %arg6[%dma_start3A_62, %dma_start3A_63, %dma_start3A_64, %dma_start3A_65] : memref<2x4x50x200xf32, #tpu.memory_space<vmem>> -> memref<1x1x50x200xf32, #tpu.memory_space<vmem>>
    %dma_start3A_67 = tpu.memref_squeeze %dma_start3A_66 : memref<1x1x50x200xf32, #tpu.memory_space<vmem>> -> memref<50x200xf32, #tpu.memory_space<vmem>>
    %dma_start3A_68 = arith.constant 0 : i32
    %dma_start3A_69 = tpu.memref_slice %arg5[%dma_start3A_60, %dma_start3A_61, %dma_start3A_68] : memref<2x4x50xi32, #tpu.memory_space<vmem>> -> memref<1x1x50xi32, #tpu.memory_space<vmem>>
    %dma_start3A_70 = tpu.memref_squeeze %dma_start3A_69 : memref<1x1x50xi32, #tpu.memory_space<vmem>> -> memref<50xi32, #tpu.memory_space<vmem>>
    %dma_start3A_71 = arith.constant 0 : i32
    %dma_start3A_72 = arith.constant 0 : i32
    %dma_start3A_73 = tpu.memref_slice %arg2[%dma_start3A_71, %dma_start3A_72] : memref<1000000x200xf32, #tpu.memory_space<hbm>> -> memref<1000000x200xf32, #tpu.memory_space<hbm>>
    tpu.enqueue_indirect_dma source(%dma_start3A_73 : memref<1000000x200xf32, #tpu.memory_space<hbm>>) target(%dma_start3A_67 : memref<50x200xf32, #tpu.memory_space<vmem>>) offsets(%dma_start3A_70 : memref<50xi32, #tpu.memory_space<vmem>>) semaphore(%arg9 : memref<!tpu.dma_semaphore, #tpu.memory_space<semaphore_mem>>)
    %dma_start3A_74 = arith.constant 0 : i32
    %dma_start3A_75 = arith.constant 2 : i32
    %dma_start3A_76 = arith.constant 0 : i32
    %dma_start3A_77 = arith.constant 2 : i32
    %dma_start3A_78 = arith.constant 0 : i32
    %dma_start3A_79 = arith.constant 0 : i32
    %dma_start3A_80 = tpu.memref_slice %arg6[%dma_start3A_76, %dma_start3A_77, %dma_start3A_78, %dma_start3A_79] : memref<2x4x50x200xf32, #tpu.memory_space<vmem>> -> memref<1x1x50x200xf32, #tpu.memory_space<vmem>>
    %dma_start3A_81 = tpu.memref_squeeze %dma_start3A_80 : memref<1x1x50x200xf32, #tpu.memory_space<vmem>> -> memref<50x200xf32, #tpu.memory_space<vmem>>
    %dma_start3A_82 = arith.constant 0 : i32
    %dma_start3A_83 = tpu.memref_slice %arg5[%dma_start3A_74, %dma_start3A_75, %dma_start3A_82] : memref<2x4x50xi32, #tpu.memory_space<vmem>> -> memref<1x1x50xi32, #tpu.memory_space<vmem>>
    %dma_start3A_84 = tpu.memref_squeeze %dma_start3A_83 : memref<1x1x50xi32, #tpu.memory_space<vmem>> -> memref<50xi32, #tpu.memory_space<vmem>>
    %dma_start3A_85 = arith.constant 0 : i32
    %dma_start3A_86 = arith.constant 0 : i32
    %dma_start3A_87 = tpu.memref_slice %arg2[%dma_start3A_85, %dma_start3A_86] : memref<1000000x200xf32, #tpu.memory_space<hbm>> -> memref<1000000x200xf32, #tpu.memory_space<hbm>>
    tpu.enqueue_indirect_dma source(%dma_start3A_87 : memref<1000000x200xf32, #tpu.memory_space<hbm>>) target(%dma_start3A_81 : memref<50x200xf32, #tpu.memory_space<vmem>>) offsets(%dma_start3A_84 : memref<50xi32, #tpu.memory_space<vmem>>) semaphore(%arg9 : memref<!tpu.dma_semaphore, #tpu.memory_space<semaphore_mem>>)
    %dma_start3A_88 = arith.constant 0 : i32
    %dma_start3A_89 = arith.constant 3 : i32
    %dma_start3A_90 = arith.constant 0 : i32
    %dma_start3A_91 = arith.constant 3 : i32
    %dma_start3A_92 = arith.constant 0 : i32
    %dma_start3A_93 = arith.constant 0 : i32
    %dma_start3A_94 = tpu.memref_slice %arg6[%dma_start3A_90, %dma_start3A_91, %dma_start3A_92, %dma_start3A_93] : memref<2x4x50x200xf32, #tpu.memory_space<vmem>> -> memref<1x1x50x200xf32, #tpu.memory_space<vmem>>
    %dma_start3A_95 = tpu.memref_squeeze %dma_start3A_94 : memref<1x1x50x200xf32, #tpu.memory_space<vmem>> -> memref<50x200xf32, #tpu.memory_space<vmem>>
    %dma_start3A_96 = arith.constant 0 : i32
    %dma_start3A_97 = tpu.memref_slice %arg5[%dma_start3A_88, %dma_start3A_89, %dma_start3A_96] : memref<2x4x50xi32, #tpu.memory_space<vmem>> -> memref<1x1x50xi32, #tpu.memory_space<vmem>>
    %dma_start3A_98 = tpu.memref_squeeze %dma_start3A_97 : memref<1x1x50xi32, #tpu.memory_space<vmem>> -> memref<50xi32, #tpu.memory_space<vmem>>
    %dma_start3A_99 = arith.constant 0 : i32
    %dma_start3A_100 = arith.constant 0 : i32
    %dma_start3A_101 = tpu.memref_slice %arg2[%dma_start3A_99, %dma_start3A_100] : memref<1000000x200xf32, #tpu.memory_space<hbm>> -> memref<1000000x200xf32, #tpu.memory_space<hbm>>
    tpu.enqueue_indirect_dma source(%dma_start3A_101 : memref<1000000x200xf32, #tpu.memory_space<hbm>>) target(%dma_start3A_95 : memref<50x200xf32, #tpu.memory_space<vmem>>) offsets(%dma_start3A_98 : memref<50xi32, #tpu.memory_space<vmem>>) semaphore(%arg9 : memref<!tpu.dma_semaphore, #tpu.memory_space<semaphore_mem>>)
    %dma_wait3A_102 = arith.constant 1 : i32
    %dma_wait3A_103 = arith.constant 0 : i32
    %dma_wait3A_104 = arith.constant 0 : i32
    %dma_wait3A_105 = tpu.memref_slice %arg5[%dma_wait3A_102, %dma_wait3A_103, %dma_wait3A_104] : memref<2x4x50xi32, #tpu.memory_space<vmem>> -> memref<1x4x50xi32, #tpu.memory_space<vmem>>
    %dma_wait3A_106 = tpu.memref_squeeze %dma_wait3A_105 : memref<1x4x50xi32, #tpu.memory_space<vmem>> -> memref<4x50xi32, #tpu.memory_space<vmem>>
    %dma_wait3A_107 = arith.constant 0 : i32
    %dma_wait3A_108 = arith.constant 0 : i32
    %dma_wait3A_109 = tpu.memref_slice %arg3[%dma_wait3A_107, %dma_wait3A_108] : memref<16384x50xi32, #tpu.memory_space<hbm>> -> memref<4x50xi32, #tpu.memory_space<hbm>>
    %dma_wait3A_110 = arith.constant 0 : i32
    %dma_wait3A_111 = arith.constant 0 : i32
    %dma_wait3A_112 = tpu.memref_slice %arg5[%dma_wait3A_102, %dma_wait3A_110, %dma_wait3A_111] : memref<2x4x50xi32, #tpu.memory_space<vmem>> -> memref<1x4x50xi32, #tpu.memory_space<vmem>>
    %dma_wait3A_113 = tpu.memref_squeeze %dma_wait3A_112 : memref<1x4x50xi32, #tpu.memory_space<vmem>> -> memref<4x50xi32, #tpu.memory_space<vmem>>
    %dma_wait3A_114 = arith.constant 0 : i32
    %dma_wait3A_115 = arith.constant 0 : i32
    %dma_wait3A_116 = tpu.memref_slice %arg3[%dma_wait3A_114, %dma_wait3A_115] : memref<16384x50xi32, #tpu.memory_space<hbm>> -> memref<4x50xi32, #tpu.memory_space<hbm>>
    tpu.wait_dma2 semaphore(%arg8 : memref<!tpu.dma_semaphore, #tpu.memory_space<semaphore_mem>>) src(%dma_wait3A_116 : memref<4x50xi32, #tpu.memory_space<hbm>>) dst(%dma_wait3A_113 : memref<4x50xi32, #tpu.memory_space<vmem>>)
    %dma_start3A_117 = arith.constant 1 : i32
    %dma_start3A_118 = arith.constant 0 : i32
    %dma_start3A_119 = arith.constant 1 : i32
    %dma_start3A_120 = arith.constant 0 : i32
    %dma_start3A_121 = arith.constant 0 : i32
    %dma_start3A_122 = arith.constant 0 : i32
    %dma_start3A_123 = tpu.memref_slice %arg6[%dma_start3A_119, %dma_start3A_120, %dma_start3A_121, %dma_start3A_122] : memref<2x4x50x200xf32, #tpu.memory_space<vmem>> -> memref<1x1x50x200xf32, #tpu.memory_space<vmem>>
    %dma_start3A_124 = tpu.memref_squeeze %dma_start3A_123 : memref<1x1x50x200xf32, #tpu.memory_space<vmem>> -> memref<50x200xf32, #tpu.memory_space<vmem>>
    %dma_start3A_125 = arith.constant 0 : i32
    %dma_start3A_126 = tpu.memref_slice %arg5[%dma_start3A_117, %dma_start3A_118, %dma_start3A_125] : memref<2x4x50xi32, #tpu.memory_space<vmem>> -> memref<1x1x50xi32, #tpu.memory_space<vmem>>
    %dma_start3A_127 = tpu.memref_squeeze %dma_start3A_126 : memref<1x1x50xi32, #tpu.memory_space<vmem>> -> memref<50xi32, #tpu.memory_space<vmem>>
    %dma_start3A_128 = arith.constant 0 : i32
    %dma_start3A_129 = arith.constant 0 : i32
    %dma_start3A_130 = tpu.memref_slice %arg2[%dma_start3A_128, %dma_start3A_129] : memref<1000000x200xf32, #tpu.memory_space<hbm>> -> memref<1000000x200xf32, #tpu.memory_space<hbm>>
    tpu.enqueue_indirect_dma source(%dma_start3A_130 : memref<1000000x200xf32, #tpu.memory_space<hbm>>) target(%dma_start3A_124 : memref<50x200xf32, #tpu.memory_space<vmem>>) offsets(%dma_start3A_127 : memref<50xi32, #tpu.memory_space<vmem>>) semaphore(%arg10 : memref<!tpu.dma_semaphore, #tpu.memory_space<semaphore_mem>>)
    %dma_start3A_131 = arith.constant 1 : i32
    %dma_start3A_132 = arith.constant 1 : i32
    %dma_start3A_133 = arith.constant 1 : i32
    %dma_start3A_134 = arith.constant 1 : i32
    %dma_start3A_135 = arith.constant 0 : i32
    %dma_start3A_136 = arith.constant 0 : i32
    %dma_start3A_137 = tpu.memref_slice %arg6[%dma_start3A_133, %dma_start3A_134, %dma_start3A_135, %dma_start3A_136] : memref<2x4x50x200xf32, #tpu.memory_space<vmem>> -> memref<1x1x50x200xf32, #tpu.memory_space<vmem>>
    %dma_start3A_138 = tpu.memref_squeeze %dma_start3A_137 : memref<1x1x50x200xf32, #tpu.memory_space<vmem>> -> memref<50x200xf32, #tpu.memory_space<vmem>>
    %dma_start3A_139 = arith.constant 0 : i32
    %dma_start3A_140 = tpu.memref_slice %arg5[%dma_start3A_131, %dma_start3A_132, %dma_start3A_139] : memref<2x4x50xi32, #tpu.memory_space<vmem>> -> memref<1x1x50xi32, #tpu.memory_space<vmem>>
    %dma_start3A_141 = tpu.memref_squeeze %dma_start3A_140 : memref<1x1x50xi32, #tpu.memory_space<vmem>> -> memref<50xi32, #tpu.memory_space<vmem>>
    %dma_start3A_142 = arith.constant 0 : i32
    %dma_start3A_143 = arith.constant 0 : i32
    %dma_start3A_144 = tpu.memref_slice %arg2[%dma_start3A_142, %dma_start3A_143] : memref<1000000x200xf32, #tpu.memory_space<hbm>> -> memref<1000000x200xf32, #tpu.memory_space<hbm>>
    tpu.enqueue_indirect_dma source(%dma_start3A_144 : memref<1000000x200xf32, #tpu.memory_space<hbm>>) target(%dma_start3A_138 : memref<50x200xf32, #tpu.memory_space<vmem>>) offsets(%dma_start3A_141 : memref<50xi32, #tpu.memory_space<vmem>>) semaphore(%arg10 : memref<!tpu.dma_semaphore, #tpu.memory_space<semaphore_mem>>)
    %dma_start3A_145 = arith.constant 1 : i32
    %dma_start3A_146 = arith.constant 2 : i32
    %dma_start3A_147 = arith.constant 1 : i32
    %dma_start3A_148 = arith.constant 2 : i32
    %dma_start3A_149 = arith.constant 0 : i32
    %dma_start3A_150 = arith.constant 0 : i32
    %dma_start3A_151 = tpu.memref_slice %arg6[%dma_start3A_147, %dma_start3A_148, %dma_start3A_149, %dma_start3A_150] : memref<2x4x50x200xf32, #tpu.memory_space<vmem>> -> memref<1x1x50x200xf32, #tpu.memory_space<vmem>>
    %dma_start3A_152 = tpu.memref_squeeze %dma_start3A_151 : memref<1x1x50x200xf32, #tpu.memory_space<vmem>> -> memref<50x200xf32, #tpu.memory_space<vmem>>
    %dma_start3A_153 = arith.constant 0 : i32
    %dma_start3A_154 = tpu.memref_slice %arg5[%dma_start3A_145, %dma_start3A_146, %dma_start3A_153] : memref<2x4x50xi32, #tpu.memory_space<vmem>> -> memref<1x1x50xi32, #tpu.memory_space<vmem>>
    %dma_start3A_155 = tpu.memref_squeeze %dma_start3A_154 : memref<1x1x50xi32, #tpu.memory_space<vmem>> -> memref<50xi32, #tpu.memory_space<vmem>>
    %dma_start3A_156 = arith.constant 0 : i32
    %dma_start3A_157 = arith.constant 0 : i32
    %dma_start3A_158 = tpu.memref_slice %arg2[%dma_start3A_156, %dma_start3A_157] : memref<1000000x200xf32, #tpu.memory_space<hbm>> -> memref<1000000x200xf32, #tpu.memory_space<hbm>>
    tpu.enqueue_indirect_dma source(%dma_start3A_158 : memref<1000000x200xf32, #tpu.memory_space<hbm>>) target(%dma_start3A_152 : memref<50x200xf32, #tpu.memory_space<vmem>>) offsets(%dma_start3A_155 : memref<50xi32, #tpu.memory_space<vmem>>) semaphore(%arg10 : memref<!tpu.dma_semaphore, #tpu.memory_space<semaphore_mem>>)
    %dma_start3A_159 = arith.constant 1 : i32
    %dma_start3A_160 = arith.constant 3 : i32
    %dma_start3A_161 = arith.constant 1 : i32
    %dma_start3A_162 = arith.constant 3 : i32
    %dma_start3A_163 = arith.constant 0 : i32
    %dma_start3A_164 = arith.constant 0 : i32
    %dma_start3A_165 = tpu.memref_slice %arg6[%dma_start3A_161, %dma_start3A_162, %dma_start3A_163, %dma_start3A_164] : memref<2x4x50x200xf32, #tpu.memory_space<vmem>> -> memref<1x1x50x200xf32, #tpu.memory_space<vmem>>
    %dma_start3A_166 = tpu.memref_squeeze %dma_start3A_165 : memref<1x1x50x200xf32, #tpu.memory_space<vmem>> -> memref<50x200xf32, #tpu.memory_space<vmem>>
    %dma_start3A_167 = arith.constant 0 : i32
    %dma_start3A_168 = tpu.memref_slice %arg5[%dma_start3A_159, %dma_start3A_160, %dma_start3A_167] : memref<2x4x50xi32, #tpu.memory_space<vmem>> -> memref<1x1x50xi32, #tpu.memory_space<vmem>>
    %dma_start3A_169 = tpu.memref_squeeze %dma_start3A_168 : memref<1x1x50xi32, #tpu.memory_space<vmem>> -> memref<50xi32, #tpu.memory_space<vmem>>
    %dma_start3A_170 = arith.constant 0 : i32
    %dma_start3A_171 = arith.constant 0 : i32
    %dma_start3A_172 = tpu.memref_slice %arg2[%dma_start3A_170, %dma_start3A_171] : memref<1000000x200xf32, #tpu.memory_space<hbm>> -> memref<1000000x200xf32, #tpu.memory_space<hbm>>
    tpu.enqueue_indirect_dma source(%dma_start3A_172 : memref<1000000x200xf32, #tpu.memory_space<hbm>>) target(%dma_start3A_166 : memref<50x200xf32, #tpu.memory_space<vmem>>) offsets(%dma_start3A_169 : memref<50xi32, #tpu.memory_space<vmem>>) semaphore(%arg10 : memref<!tpu.dma_semaphore, #tpu.memory_space<semaphore_mem>>)
    %scan3A = arith.constant 0 : i32
    %scan3A_173 = arith.constant 64 : i32
    %scan3A_174 = arith.addi %scan3A, %scan3A_173 : i32
    %scan3A_175 = arith.constant 1 : i32
    scf.for %scan3A_215 = %scan3A to %scan3A_174 step %scan3A_175  : i32 {
      %mul3A_216 = arith.constant 2 : i32
      %mul3A_217 = arith.muli %scan3A_215, %mul3A_216 : i32
      %add3A_218 = arith.constant 0 : i32
      %add3A_219 = arith.addi %add3A_218, %mul3A_217 : i32
      %add3A_220 = arith.constant 0 : i32
      %add3A_221 = arith.addi %add3A_219, %add3A_220 : i32
      %dma_wait3A_222 = arith.constant 0 : i32
      %dma_wait3A_223 = arith.constant 0 : i32
      %dma_wait3A_224 = arith.constant 0 : i32
      %dma_wait3A_225 = arith.constant 0 : i32
      %dma_wait3A_226 = arith.constant 0 : i32
      %dma_wait3A_227 = arith.constant 0 : i32
      %dma_wait3A_228 = tpu.memref_slice %arg6[%dma_wait3A_224, %dma_wait3A_225, %dma_wait3A_226, %dma_wait3A_227] : memref<2x4x50x200xf32, #tpu.memory_space<vmem>> -> memref<1x1x50x200xf32, #tpu.memory_space<vmem>>
      %dma_wait3A_229 = tpu.memref_squeeze %dma_wait3A_228 : memref<1x1x50x200xf32, #tpu.memory_space<vmem>> -> memref<50x200xf32, #tpu.memory_space<vmem>>
      %dma_wait3A_230 = arith.constant 0 : i32
      %dma_wait3A_231 = tpu.memref_slice %arg5[%dma_wait3A_222, %dma_wait3A_223, %dma_wait3A_230] : memref<2x4x50xi32, #tpu.memory_space<vmem>> -> memref<1x1x50xi32, #tpu.memory_space<vmem>>
      %dma_wait3A_232 = tpu.memref_squeeze %dma_wait3A_231 : memref<1x1x50xi32, #tpu.memory_space<vmem>> -> memref<50xi32, #tpu.memory_space<vmem>>
      %dma_wait3A_233 = arith.constant 0 : i32
      %dma_wait3A_234 = arith.constant 0 : i32
      %dma_wait3A_235 = tpu.memref_slice %arg2[%dma_wait3A_233, %dma_wait3A_234] : memref<1000000x200xf32, #tpu.memory_space<hbm>> -> memref<1000000x200xf32, #tpu.memory_space<hbm>>
      tpu.wait_indirect_dma semaphore(%arg9 : memref<!tpu.dma_semaphore, #tpu.memory_space<semaphore_mem>>) src(%dma_wait3A_235 : memref<1000000x200xf32, #tpu.memory_space<hbm>>) dst(%dma_wait3A_229 : memref<50x200xf32, #tpu.memory_space<vmem>>)
      %dma_wait3A_236 = arith.constant 0 : i32
      %dma_wait3A_237 = arith.constant 1 : i32
      %dma_wait3A_238 = arith.constant 0 : i32
      %dma_wait3A_239 = arith.constant 1 : i32
      %dma_wait3A_240 = arith.constant 0 : i32
      %dma_wait3A_241 = arith.constant 0 : i32
      %dma_wait3A_242 = tpu.memref_slice %arg6[%dma_wait3A_238, %dma_wait3A_239, %dma_wait3A_240, %dma_wait3A_241] : memref<2x4x50x200xf32, #tpu.memory_space<vmem>> -> memref<1x1x50x200xf32, #tpu.memory_space<vmem>>
      %dma_wait3A_243 = tpu.memref_squeeze %dma_wait3A_242 : memref<1x1x50x200xf32, #tpu.memory_space<vmem>> -> memref<50x200xf32, #tpu.memory_space<vmem>>
      %dma_wait3A_244 = arith.constant 0 : i32
      %dma_wait3A_245 = tpu.memref_slice %arg5[%dma_wait3A_236, %dma_wait3A_237, %dma_wait3A_244] : memref<2x4x50xi32, #tpu.memory_space<vmem>> -> memref<1x1x50xi32, #tpu.memory_space<vmem>>
      %dma_wait3A_246 = tpu.memref_squeeze %dma_wait3A_245 : memref<1x1x50xi32, #tpu.memory_space<vmem>> -> memref<50xi32, #tpu.memory_space<vmem>>
      %dma_wait3A_247 = arith.constant 0 : i32
      %dma_wait3A_248 = arith.constant 0 : i32
      %dma_wait3A_249 = tpu.memref_slice %arg2[%dma_wait3A_247, %dma_wait3A_248] : memref<1000000x200xf32, #tpu.memory_space<hbm>> -> memref<1000000x200xf32, #tpu.memory_space<hbm>>
      tpu.wait_indirect_dma semaphore(%arg9 : memref<!tpu.dma_semaphore, #tpu.memory_space<semaphore_mem>>) src(%dma_wait3A_249 : memref<1000000x200xf32, #tpu.memory_space<hbm>>) dst(%dma_wait3A_243 : memref<50x200xf32, #tpu.memory_space<vmem>>)
      %dma_wait3A_250 = arith.constant 0 : i32
      %dma_wait3A_251 = arith.constant 2 : i32
      %dma_wait3A_252 = arith.constant 0 : i32
      %dma_wait3A_253 = arith.constant 2 : i32
      %dma_wait3A_254 = arith.constant 0 : i32
      %dma_wait3A_255 = arith.constant 0 : i32
      %dma_wait3A_256 = tpu.memref_slice %arg6[%dma_wait3A_252, %dma_wait3A_253, %dma_wait3A_254, %dma_wait3A_255] : memref<2x4x50x200xf32, #tpu.memory_space<vmem>> -> memref<1x1x50x200xf32, #tpu.memory_space<vmem>>
      %dma_wait3A_257 = tpu.memref_squeeze %dma_wait3A_256 : memref<1x1x50x200xf32, #tpu.memory_space<vmem>> -> memref<50x200xf32, #tpu.memory_space<vmem>>
      %dma_wait3A_258 = arith.constant 0 : i32
      %dma_wait3A_259 = tpu.memref_slice %arg5[%dma_wait3A_250, %dma_wait3A_251, %dma_wait3A_258] : memref<2x4x50xi32, #tpu.memory_space<vmem>> -> memref<1x1x50xi32, #tpu.memory_space<vmem>>
      %dma_wait3A_260 = tpu.memref_squeeze %dma_wait3A_259 : memref<1x1x50xi32, #tpu.memory_space<vmem>> -> memref<50xi32, #tpu.memory_space<vmem>>
      %dma_wait3A_261 = arith.constant 0 : i32
      %dma_wait3A_262 = arith.constant 0 : i32
      %dma_wait3A_263 = tpu.memref_slice %arg2[%dma_wait3A_261, %dma_wait3A_262] : memref<1000000x200xf32, #tpu.memory_space<hbm>> -> memref<1000000x200xf32, #tpu.memory_space<hbm>>
      tpu.wait_indirect_dma semaphore(%arg9 : memref<!tpu.dma_semaphore, #tpu.memory_space<semaphore_mem>>) src(%dma_wait3A_263 : memref<1000000x200xf32, #tpu.memory_space<hbm>>) dst(%dma_wait3A_257 : memref<50x200xf32, #tpu.memory_space<vmem>>)
      %dma_wait3A_264 = arith.constant 0 : i32
      %dma_wait3A_265 = arith.constant 3 : i32
      %dma_wait3A_266 = arith.constant 0 : i32
      %dma_wait3A_267 = arith.constant 3 : i32
      %dma_wait3A_268 = arith.constant 0 : i32
      %dma_wait3A_269 = arith.constant 0 : i32
      %dma_wait3A_270 = tpu.memref_slice %arg6[%dma_wait3A_266, %dma_wait3A_267, %dma_wait3A_268, %dma_wait3A_269] : memref<2x4x50x200xf32, #tpu.memory_space<vmem>> -> memref<1x1x50x200xf32, #tpu.memory_space<vmem>>
      %dma_wait3A_271 = tpu.memref_squeeze %dma_wait3A_270 : memref<1x1x50x200xf32, #tpu.memory_space<vmem>> -> memref<50x200xf32, #tpu.memory_space<vmem>>
      %dma_wait3A_272 = arith.constant 0 : i32
      %dma_wait3A_273 = tpu.memref_slice %arg5[%dma_wait3A_264, %dma_wait3A_265, %dma_wait3A_272] : memref<2x4x50xi32, #tpu.memory_space<vmem>> -> memref<1x1x50xi32, #tpu.memory_space<vmem>>
      %dma_wait3A_274 = tpu.memref_squeeze %dma_wait3A_273 : memref<1x1x50xi32, #tpu.memory_space<vmem>> -> memref<50xi32, #tpu.memory_space<vmem>>
      %dma_wait3A_275 = arith.constant 0 : i32
      %dma_wait3A_276 = arith.constant 0 : i32
      %dma_wait3A_277 = tpu.memref_slice %arg2[%dma_wait3A_275, %dma_wait3A_276] : memref<1000000x200xf32, #tpu.memory_space<hbm>> -> memref<1000000x200xf32, #tpu.memory_space<hbm>>
      tpu.wait_indirect_dma semaphore(%arg9 : memref<!tpu.dma_semaphore, #tpu.memory_space<semaphore_mem>>) src(%dma_wait3A_277 : memref<1000000x200xf32, #tpu.memory_space<hbm>>) dst(%dma_wait3A_271 : memref<50x200xf32, #tpu.memory_space<vmem>>)
      %mul3A_278 = arith.constant 4 : i32
      %mul3A_279 = arith.muli %add3A_221, %mul3A_278 : i32
      %add3A_280 = arith.addi %mul3A_2, %mul3A_279 : i32
      %dma_start3A_281 = arith.constant 0 : i32
      %dma_start3A_282 = arith.constant 0 : i32
      %dma_start3A_283 = arith.constant 0 : i32
      %dma_start3A_284 = arith.constant 0 : i32
      %dma_start3A_285 = tpu.memref_slice %arg6[%dma_start3A_281, %dma_start3A_282, %dma_start3A_283, %dma_start3A_284] : memref<2x4x50x200xf32, #tpu.memory_space<vmem>> -> memref<1x4x50x200xf32, #tpu.memory_space<vmem>>
      %dma_start3A_286 = tpu.memref_squeeze %dma_start3A_285 : memref<1x4x50x200xf32, #tpu.memory_space<vmem>> -> memref<4x50x200xf32, #tpu.memory_space<vmem>>
      %dma_start3A_287 = arith.constant 0 : i32
      %dma_start3A_288 = arith.constant 0 : i32
      %dma_start3A_289 = tpu.memref_slice %arg4[%add3A_280, %dma_start3A_287, %dma_start3A_288] : memref<16384x50x200xf32, #tpu.memory_space<hbm>> -> memref<4x50x200xf32, #tpu.memory_space<hbm>>
      %dma_start3A_290 = arith.constant 0 : i32
      %dma_start3A_291 = arith.constant 0 : i32
      %dma_start3A_292 = tpu.memref_slice %arg4[%add3A_280, %dma_start3A_290, %dma_start3A_291] : memref<16384x50x200xf32, #tpu.memory_space<hbm>> -> memref<4x50x200xf32, #tpu.memory_space<hbm>>
      %dma_start3A_293 = arith.constant 0 : i32
      %dma_start3A_294 = arith.constant 0 : i32
      %dma_start3A_295 = arith.constant 0 : i32
      %dma_start3A_296 = tpu.memref_slice %arg6[%dma_start3A_281, %dma_start3A_293, %dma_start3A_294, %dma_start3A_295] : memref<2x4x50x200xf32, #tpu.memory_space<vmem>> -> memref<1x4x50x200xf32, #tpu.memory_space<vmem>>
      %dma_start3A_297 = tpu.memref_squeeze %dma_start3A_296 : memref<1x4x50x200xf32, #tpu.memory_space<vmem>> -> memref<4x50x200xf32, #tpu.memory_space<vmem>>
      tpu.enqueue_dma source(%dma_start3A_297 : memref<4x50x200xf32, #tpu.memory_space<vmem>>) target(%dma_start3A_292 : memref<4x50x200xf32, #tpu.memory_space<hbm>>) target_semaphore(%arg11 : memref<!tpu.dma_semaphore, #tpu.memory_space<semaphore_mem>>)
      %add3A_298 = arith.constant 2 : i32
      %add3A_299 = arith.addi %add3A_221, %add3A_298 : i32
      %lt3A = arith.constant 128 : i32
      %lt3A_300 = arith.cmpi slt, %add3A_299, %lt3A : i32
      %convert_element_type3A = arith.extui %lt3A_300 : i1 to i32
      %cond3A = arith.constant 0 : i32
      %cond3A_301 = arith.cmpi ne, %convert_element_type3A, %cond3A : i32
      scf.if %cond3A_301 {
        %add3A_387 = arith.constant 2 : i32
        %add3A_388 = arith.addi %add3A_221, %add3A_387 : i32
        %mul3A_389 = arith.constant 4 : i32
        %mul3A_390 = arith.muli %add3A_388, %mul3A_389 : i32
        %add3A_391 = arith.addi %mul3A_2, %mul3A_390 : i32
        %dma_start3A_392 = arith.constant 0 : i32
        %dma_start3A_393 = arith.constant 0 : i32
        %dma_start3A_394 = arith.constant 0 : i32
        %dma_start3A_395 = tpu.memref_slice %arg5[%dma_start3A_392, %dma_start3A_393, %dma_start3A_394] : memref<2x4x50xi32, #tpu.memory_space<vmem>> -> memref<1x4x50xi32, #tpu.memory_space<vmem>>
        %dma_start3A_396 = tpu.memref_squeeze %dma_start3A_395 : memref<1x4x50xi32, #tpu.memory_space<vmem>> -> memref<4x50xi32, #tpu.memory_space<vmem>>
        %dma_start3A_397 = arith.constant 0 : i32
        %dma_start3A_398 = tpu.memref_slice %arg3[%add3A_391, %dma_start3A_397] : memref<16384x50xi32, #tpu.memory_space<hbm>> -> memref<4x50xi32, #tpu.memory_space<hbm>>
        %dma_start3A_399 = arith.constant 0 : i32
        %dma_start3A_400 = arith.constant 0 : i32
        %dma_start3A_401 = tpu.memref_slice %arg5[%dma_start3A_392, %dma_start3A_399, %dma_start3A_400] : memref<2x4x50xi32, #tpu.memory_space<vmem>> -> memref<1x4x50xi32, #tpu.memory_space<vmem>>
        %dma_start3A_402 = tpu.memref_squeeze %dma_start3A_401 : memref<1x4x50xi32, #tpu.memory_space<vmem>> -> memref<4x50xi32, #tpu.memory_space<vmem>>
        %dma_start3A_403 = arith.constant 0 : i32
        %dma_start3A_404 = tpu.memref_slice %arg3[%add3A_391, %dma_start3A_403] : memref<16384x50xi32, #tpu.memory_space<hbm>> -> memref<4x50xi32, #tpu.memory_space<hbm>>
        tpu.enqueue_dma source(%dma_start3A_404 : memref<4x50xi32, #tpu.memory_space<hbm>>) target(%dma_start3A_402 : memref<4x50xi32, #tpu.memory_space<vmem>>) target_semaphore(%arg7 : memref<!tpu.dma_semaphore, #tpu.memory_space<semaphore_mem>>)
        %dma_wait3A_405 = arith.constant 0 : i32
        %dma_wait3A_406 = arith.constant 0 : i32
        %dma_wait3A_407 = arith.constant 0 : i32
        %dma_wait3A_408 = tpu.memref_slice %arg5[%dma_wait3A_405, %dma_wait3A_406, %dma_wait3A_407] : memref<2x4x50xi32, #tpu.memory_space<vmem>> -> memref<1x4x50xi32, #tpu.memory_space<vmem>>
        %dma_wait3A_409 = tpu.memref_squeeze %dma_wait3A_408 : memref<1x4x50xi32, #tpu.memory_space<vmem>> -> memref<4x50xi32, #tpu.memory_space<vmem>>
        %dma_wait3A_410 = arith.constant 0 : i32
        %dma_wait3A_411 = arith.constant 0 : i32
        %dma_wait3A_412 = tpu.memref_slice %arg3[%dma_wait3A_410, %dma_wait3A_411] : memref<16384x50xi32, #tpu.memory_space<hbm>> -> memref<4x50xi32, #tpu.memory_space<hbm>>
        %dma_wait3A_413 = arith.constant 0 : i32
        %dma_wait3A_414 = arith.constant 0 : i32
        %dma_wait3A_415 = tpu.memref_slice %arg5[%dma_wait3A_405, %dma_wait3A_413, %dma_wait3A_414] : memref<2x4x50xi32, #tpu.memory_space<vmem>> -> memref<1x4x50xi32, #tpu.memory_space<vmem>>
        %dma_wait3A_416 = tpu.memref_squeeze %dma_wait3A_415 : memref<1x4x50xi32, #tpu.memory_space<vmem>> -> memref<4x50xi32, #tpu.memory_space<vmem>>
        %dma_wait3A_417 = arith.constant 0 : i32
        %dma_wait3A_418 = arith.constant 0 : i32
        %dma_wait3A_419 = tpu.memref_slice %arg3[%dma_wait3A_417, %dma_wait3A_418] : memref<16384x50xi32, #tpu.memory_space<hbm>> -> memref<4x50xi32, #tpu.memory_space<hbm>>
        tpu.wait_dma2 semaphore(%arg7 : memref<!tpu.dma_semaphore, #tpu.memory_space<semaphore_mem>>) src(%dma_wait3A_419 : memref<4x50xi32, #tpu.memory_space<hbm>>) dst(%dma_wait3A_416 : memref<4x50xi32, #tpu.memory_space<vmem>>)
        %dma_wait3A_420 = arith.constant 0 : i32
        %dma_wait3A_421 = arith.constant 0 : i32
        %dma_wait3A_422 = arith.constant 0 : i32
        %dma_wait3A_423 = arith.constant 0 : i32
        %dma_wait3A_424 = tpu.memref_slice %arg6[%dma_wait3A_420, %dma_wait3A_421, %dma_wait3A_422, %dma_wait3A_423] : memref<2x4x50x200xf32, #tpu.memory_space<vmem>> -> memref<1x4x50x200xf32, #tpu.memory_space<vmem>>
        %dma_wait3A_425 = tpu.memref_squeeze %dma_wait3A_424 : memref<1x4x50x200xf32, #tpu.memory_space<vmem>> -> memref<4x50x200xf32, #tpu.memory_space<vmem>>
        %dma_wait3A_426 = arith.constant 0 : i32
        %dma_wait3A_427 = arith.constant 0 : i32
        %dma_wait3A_428 = arith.constant 0 : i32
        %dma_wait3A_429 = tpu.memref_slice %arg4[%dma_wait3A_426, %dma_wait3A_427, %dma_wait3A_428] : memref<16384x50x200xf32, #tpu.memory_space<hbm>> -> memref<4x50x200xf32, #tpu.memory_space<hbm>>
        %dma_wait3A_430 = arith.constant 0 : i32
        %dma_wait3A_431 = arith.constant 0 : i32
        %dma_wait3A_432 = arith.constant 0 : i32
        %dma_wait3A_433 = tpu.memref_slice %arg4[%dma_wait3A_430, %dma_wait3A_431, %dma_wait3A_432] : memref<16384x50x200xf32, #tpu.memory_space<hbm>> -> memref<4x50x200xf32, #tpu.memory_space<hbm>>
        %dma_wait3A_434 = arith.constant 0 : i32
        %dma_wait3A_435 = arith.constant 0 : i32
        %dma_wait3A_436 = arith.constant 0 : i32
        %dma_wait3A_437 = tpu.memref_slice %arg6[%dma_wait3A_420, %dma_wait3A_434, %dma_wait3A_435, %dma_wait3A_436] : memref<2x4x50x200xf32, #tpu.memory_space<vmem>> -> memref<1x4x50x200xf32, #tpu.memory_space<vmem>>
        %dma_wait3A_438 = tpu.memref_squeeze %dma_wait3A_437 : memref<1x4x50x200xf32, #tpu.memory_space<vmem>> -> memref<4x50x200xf32, #tpu.memory_space<vmem>>
        tpu.wait_dma2 semaphore(%arg11 : memref<!tpu.dma_semaphore, #tpu.memory_space<semaphore_mem>>) src(%dma_wait3A_438 : memref<4x50x200xf32, #tpu.memory_space<vmem>>) dst(%dma_wait3A_433 : memref<4x50x200xf32, #tpu.memory_space<hbm>>)
        %dma_start3A_439 = arith.constant 0 : i32
        %dma_start3A_440 = arith.constant 0 : i32
        %dma_start3A_441 = arith.constant 0 : i32
        %dma_start3A_442 = arith.constant 0 : i32
        %dma_start3A_443 = arith.constant 0 : i32
        %dma_start3A_444 = arith.constant 0 : i32
        %dma_start3A_445 = tpu.memref_slice %arg6[%dma_start3A_441, %dma_start3A_442, %dma_start3A_443, %dma_start3A_444] : memref<2x4x50x200xf32, #tpu.memory_space<vmem>> -> memref<1x1x50x200xf32, #tpu.memory_space<vmem>>
        %dma_start3A_446 = tpu.memref_squeeze %dma_start3A_445 : memref<1x1x50x200xf32, #tpu.memory_space<vmem>> -> memref<50x200xf32, #tpu.memory_space<vmem>>
        %dma_start3A_447 = arith.constant 0 : i32
        %dma_start3A_448 = tpu.memref_slice %arg5[%dma_start3A_439, %dma_start3A_440, %dma_start3A_447] : memref<2x4x50xi32, #tpu.memory_space<vmem>> -> memref<1x1x50xi32, #tpu.memory_space<vmem>>
        %dma_start3A_449 = tpu.memref_squeeze %dma_start3A_448 : memref<1x1x50xi32, #tpu.memory_space<vmem>> -> memref<50xi32, #tpu.memory_space<vmem>>
        %dma_start3A_450 = arith.constant 0 : i32
        %dma_start3A_451 = arith.constant 0 : i32
        %dma_start3A_452 = tpu.memref_slice %arg2[%dma_start3A_450, %dma_start3A_451] : memref<1000000x200xf32, #tpu.memory_space<hbm>> -> memref<1000000x200xf32, #tpu.memory_space<hbm>>
        tpu.enqueue_indirect_dma source(%dma_start3A_452 : memref<1000000x200xf32, #tpu.memory_space<hbm>>) target(%dma_start3A_446 : memref<50x200xf32, #tpu.memory_space<vmem>>) offsets(%dma_start3A_449 : memref<50xi32, #tpu.memory_space<vmem>>) semaphore(%arg9 : memref<!tpu.dma_semaphore, #tpu.memory_space<semaphore_mem>>)
        %dma_start3A_453 = arith.constant 0 : i32
        %dma_start3A_454 = arith.constant 1 : i32
        %dma_start3A_455 = arith.constant 0 : i32
        %dma_start3A_456 = arith.constant 1 : i32
        %dma_start3A_457 = arith.constant 0 : i32
        %dma_start3A_458 = arith.constant 0 : i32
        %dma_start3A_459 = tpu.memref_slice %arg6[%dma_start3A_455, %dma_start3A_456, %dma_start3A_457, %dma_start3A_458] : memref<2x4x50x200xf32, #tpu.memory_space<vmem>> -> memref<1x1x50x200xf32, #tpu.memory_space<vmem>>
        %dma_start3A_460 = tpu.memref_squeeze %dma_start3A_459 : memref<1x1x50x200xf32, #tpu.memory_space<vmem>> -> memref<50x200xf32, #tpu.memory_space<vmem>>
        %dma_start3A_461 = arith.constant 0 : i32
        %dma_start3A_462 = tpu.memref_slice %arg5[%dma_start3A_453, %dma_start3A_454, %dma_start3A_461] : memref<2x4x50xi32, #tpu.memory_space<vmem>> -> memref<1x1x50xi32, #tpu.memory_space<vmem>>
        %dma_start3A_463 = tpu.memref_squeeze %dma_start3A_462 : memref<1x1x50xi32, #tpu.memory_space<vmem>> -> memref<50xi32, #tpu.memory_space<vmem>>
        %dma_start3A_464 = arith.constant 0 : i32
        %dma_start3A_465 = arith.constant 0 : i32
        %dma_start3A_466 = tpu.memref_slice %arg2[%dma_start3A_464, %dma_start3A_465] : memref<1000000x200xf32, #tpu.memory_space<hbm>> -> memref<1000000x200xf32, #tpu.memory_space<hbm>>
        tpu.enqueue_indirect_dma source(%dma_start3A_466 : memref<1000000x200xf32, #tpu.memory_space<hbm>>) target(%dma_start3A_460 : memref<50x200xf32, #tpu.memory_space<vmem>>) offsets(%dma_start3A_463 : memref<50xi32, #tpu.memory_space<vmem>>) semaphore(%arg9 : memref<!tpu.dma_semaphore, #tpu.memory_space<semaphore_mem>>)
        %dma_start3A_467 = arith.constant 0 : i32
        %dma_start3A_468 = arith.constant 2 : i32
        %dma_start3A_469 = arith.constant 0 : i32
        %dma_start3A_470 = arith.constant 2 : i32
        %dma_start3A_471 = arith.constant 0 : i32
        %dma_start3A_472 = arith.constant 0 : i32
        %dma_start3A_473 = tpu.memref_slice %arg6[%dma_start3A_469, %dma_start3A_470, %dma_start3A_471, %dma_start3A_472] : memref<2x4x50x200xf32, #tpu.memory_space<vmem>> -> memref<1x1x50x200xf32, #tpu.memory_space<vmem>>
        %dma_start3A_474 = tpu.memref_squeeze %dma_start3A_473 : memref<1x1x50x200xf32, #tpu.memory_space<vmem>> -> memref<50x200xf32, #tpu.memory_space<vmem>>
        %dma_start3A_475 = arith.constant 0 : i32
        %dma_start3A_476 = tpu.memref_slice %arg5[%dma_start3A_467, %dma_start3A_468, %dma_start3A_475] : memref<2x4x50xi32, #tpu.memory_space<vmem>> -> memref<1x1x50xi32, #tpu.memory_space<vmem>>
        %dma_start3A_477 = tpu.memref_squeeze %dma_start3A_476 : memref<1x1x50xi32, #tpu.memory_space<vmem>> -> memref<50xi32, #tpu.memory_space<vmem>>
        %dma_start3A_478 = arith.constant 0 : i32
        %dma_start3A_479 = arith.constant 0 : i32
        %dma_start3A_480 = tpu.memref_slice %arg2[%dma_start3A_478, %dma_start3A_479] : memref<1000000x200xf32, #tpu.memory_space<hbm>> -> memref<1000000x200xf32, #tpu.memory_space<hbm>>
        tpu.enqueue_indirect_dma source(%dma_start3A_480 : memref<1000000x200xf32, #tpu.memory_space<hbm>>) target(%dma_start3A_474 : memref<50x200xf32, #tpu.memory_space<vmem>>) offsets(%dma_start3A_477 : memref<50xi32, #tpu.memory_space<vmem>>) semaphore(%arg9 : memref<!tpu.dma_semaphore, #tpu.memory_space<semaphore_mem>>)
        %dma_start3A_481 = arith.constant 0 : i32
        %dma_start3A_482 = arith.constant 3 : i32
        %dma_start3A_483 = arith.constant 0 : i32
        %dma_start3A_484 = arith.constant 3 : i32
        %dma_start3A_485 = arith.constant 0 : i32
        %dma_start3A_486 = arith.constant 0 : i32
        %dma_start3A_487 = tpu.memref_slice %arg6[%dma_start3A_483, %dma_start3A_484, %dma_start3A_485, %dma_start3A_486] : memref<2x4x50x200xf32, #tpu.memory_space<vmem>> -> memref<1x1x50x200xf32, #tpu.memory_space<vmem>>
        %dma_start3A_488 = tpu.memref_squeeze %dma_start3A_487 : memref<1x1x50x200xf32, #tpu.memory_space<vmem>> -> memref<50x200xf32, #tpu.memory_space<vmem>>
        %dma_start3A_489 = arith.constant 0 : i32
        %dma_start3A_490 = tpu.memref_slice %arg5[%dma_start3A_481, %dma_start3A_482, %dma_start3A_489] : memref<2x4x50xi32, #tpu.memory_space<vmem>> -> memref<1x1x50xi32, #tpu.memory_space<vmem>>
        %dma_start3A_491 = tpu.memref_squeeze %dma_start3A_490 : memref<1x1x50xi32, #tpu.memory_space<vmem>> -> memref<50xi32, #tpu.memory_space<vmem>>
        %dma_start3A_492 = arith.constant 0 : i32
        %dma_start3A_493 = arith.constant 0 : i32
        %dma_start3A_494 = tpu.memref_slice %arg2[%dma_start3A_492, %dma_start3A_493] : memref<1000000x200xf32, #tpu.memory_space<hbm>> -> memref<1000000x200xf32, #tpu.memory_space<hbm>>
        tpu.enqueue_indirect_dma source(%dma_start3A_494 : memref<1000000x200xf32, #tpu.memory_space<hbm>>) target(%dma_start3A_488 : memref<50x200xf32, #tpu.memory_space<vmem>>) offsets(%dma_start3A_491 : memref<50xi32, #tpu.memory_space<vmem>>) semaphore(%arg9 : memref<!tpu.dma_semaphore, #tpu.memory_space<semaphore_mem>>)
      } else {
      }
      %add3A_302 = arith.constant 1 : i32
      %add3A_303 = arith.addi %add3A_219, %add3A_302 : i32
      %dma_wait3A_304 = arith.constant 1 : i32
      %dma_wait3A_305 = arith.constant 0 : i32
      %dma_wait3A_306 = arith.constant 1 : i32
      %dma_wait3A_307 = arith.constant 0 : i32
      %dma_wait3A_308 = arith.constant 0 : i32
      %dma_wait3A_309 = arith.constant 0 : i32
      %dma_wait3A_310 = tpu.memref_slice %arg6[%dma_wait3A_306, %dma_wait3A_307, %dma_wait3A_308, %dma_wait3A_309] : memref<2x4x50x200xf32, #tpu.memory_space<vmem>> -> memref<1x1x50x200xf32, #tpu.memory_space<vmem>>
      %dma_wait3A_311 = tpu.memref_squeeze %dma_wait3A_310 : memref<1x1x50x200xf32, #tpu.memory_space<vmem>> -> memref<50x200xf32, #tpu.memory_space<vmem>>
      %dma_wait3A_312 = arith.constant 0 : i32
      %dma_wait3A_313 = tpu.memref_slice %arg5[%dma_wait3A_304, %dma_wait3A_305, %dma_wait3A_312] : memref<2x4x50xi32, #tpu.memory_space<vmem>> -> memref<1x1x50xi32, #tpu.memory_space<vmem>>
      %dma_wait3A_314 = tpu.memref_squeeze %dma_wait3A_313 : memref<1x1x50xi32, #tpu.memory_space<vmem>> -> memref<50xi32, #tpu.memory_space<vmem>>
      %dma_wait3A_315 = arith.constant 0 : i32
      %dma_wait3A_316 = arith.constant 0 : i32
      %dma_wait3A_317 = tpu.memref_slice %arg2[%dma_wait3A_315, %dma_wait3A_316] : memref<1000000x200xf32, #tpu.memory_space<hbm>> -> memref<1000000x200xf32, #tpu.memory_space<hbm>>
      tpu.wait_indirect_dma semaphore(%arg10 : memref<!tpu.dma_semaphore, #tpu.memory_space<semaphore_mem>>) src(%dma_wait3A_317 : memref<1000000x200xf32, #tpu.memory_space<hbm>>) dst(%dma_wait3A_311 : memref<50x200xf32, #tpu.memory_space<vmem>>)
      %dma_wait3A_318 = arith.constant 1 : i32
      %dma_wait3A_319 = arith.constant 1 : i32
      %dma_wait3A_320 = arith.constant 1 : i32
      %dma_wait3A_321 = arith.constant 1 : i32
      %dma_wait3A_322 = arith.constant 0 : i32
      %dma_wait3A_323 = arith.constant 0 : i32
      %dma_wait3A_324 = tpu.memref_slice %arg6[%dma_wait3A_320, %dma_wait3A_321, %dma_wait3A_322, %dma_wait3A_323] : memref<2x4x50x200xf32, #tpu.memory_space<vmem>> -> memref<1x1x50x200xf32, #tpu.memory_space<vmem>>
      %dma_wait3A_325 = tpu.memref_squeeze %dma_wait3A_324 : memref<1x1x50x200xf32, #tpu.memory_space<vmem>> -> memref<50x200xf32, #tpu.memory_space<vmem>>
      %dma_wait3A_326 = arith.constant 0 : i32
      %dma_wait3A_327 = tpu.memref_slice %arg5[%dma_wait3A_318, %dma_wait3A_319, %dma_wait3A_326] : memref<2x4x50xi32, #tpu.memory_space<vmem>> -> memref<1x1x50xi32, #tpu.memory_space<vmem>>
      %dma_wait3A_328 = tpu.memref_squeeze %dma_wait3A_327 : memref<1x1x50xi32, #tpu.memory_space<vmem>> -> memref<50xi32, #tpu.memory_space<vmem>>
      %dma_wait3A_329 = arith.constant 0 : i32
      %dma_wait3A_330 = arith.constant 0 : i32
      %dma_wait3A_331 = tpu.memref_slice %arg2[%dma_wait3A_329, %dma_wait3A_330] : memref<1000000x200xf32, #tpu.memory_space<hbm>> -> memref<1000000x200xf32, #tpu.memory_space<hbm>>
      tpu.wait_indirect_dma semaphore(%arg10 : memref<!tpu.dma_semaphore, #tpu.memory_space<semaphore_mem>>) src(%dma_wait3A_331 : memref<1000000x200xf32, #tpu.memory_space<hbm>>) dst(%dma_wait3A_325 : memref<50x200xf32, #tpu.memory_space<vmem>>)
      %dma_wait3A_332 = arith.constant 1 : i32
      %dma_wait3A_333 = arith.constant 2 : i32
      %dma_wait3A_334 = arith.constant 1 : i32
      %dma_wait3A_335 = arith.constant 2 : i32
      %dma_wait3A_336 = arith.constant 0 : i32
      %dma_wait3A_337 = arith.constant 0 : i32
      %dma_wait3A_338 = tpu.memref_slice %arg6[%dma_wait3A_334, %dma_wait3A_335, %dma_wait3A_336, %dma_wait3A_337] : memref<2x4x50x200xf32, #tpu.memory_space<vmem>> -> memref<1x1x50x200xf32, #tpu.memory_space<vmem>>
      %dma_wait3A_339 = tpu.memref_squeeze %dma_wait3A_338 : memref<1x1x50x200xf32, #tpu.memory_space<vmem>> -> memref<50x200xf32, #tpu.memory_space<vmem>>
      %dma_wait3A_340 = arith.constant 0 : i32
      %dma_wait3A_341 = tpu.memref_slice %arg5[%dma_wait3A_332, %dma_wait3A_333, %dma_wait3A_340] : memref<2x4x50xi32, #tpu.memory_space<vmem>> -> memref<1x1x50xi32, #tpu.memory_space<vmem>>
      %dma_wait3A_342 = tpu.memref_squeeze %dma_wait3A_341 : memref<1x1x50xi32, #tpu.memory_space<vmem>> -> memref<50xi32, #tpu.memory_space<vmem>>
      %dma_wait3A_343 = arith.constant 0 : i32
      %dma_wait3A_344 = arith.constant 0 : i32
      %dma_wait3A_345 = tpu.memref_slice %arg2[%dma_wait3A_343, %dma_wait3A_344] : memref<1000000x200xf32, #tpu.memory_space<hbm>> -> memref<1000000x200xf32, #tpu.memory_space<hbm>>
      tpu.wait_indirect_dma semaphore(%arg10 : memref<!tpu.dma_semaphore, #tpu.memory_space<semaphore_mem>>) src(%dma_wait3A_345 : memref<1000000x200xf32, #tpu.memory_space<hbm>>) dst(%dma_wait3A_339 : memref<50x200xf32, #tpu.memory_space<vmem>>)
      %dma_wait3A_346 = arith.constant 1 : i32
      %dma_wait3A_347 = arith.constant 3 : i32
      %dma_wait3A_348 = arith.constant 1 : i32
      %dma_wait3A_349 = arith.constant 3 : i32
      %dma_wait3A_350 = arith.constant 0 : i32
      %dma_wait3A_351 = arith.constant 0 : i32
      %dma_wait3A_352 = tpu.memref_slice %arg6[%dma_wait3A_348, %dma_wait3A_349, %dma_wait3A_350, %dma_wait3A_351] : memref<2x4x50x200xf32, #tpu.memory_space<vmem>> -> memref<1x1x50x200xf32, #tpu.memory_space<vmem>>
      %dma_wait3A_353 = tpu.memref_squeeze %dma_wait3A_352 : memref<1x1x50x200xf32, #tpu.memory_space<vmem>> -> memref<50x200xf32, #tpu.memory_space<vmem>>
      %dma_wait3A_354 = arith.constant 0 : i32
      %dma_wait3A_355 = tpu.memref_slice %arg5[%dma_wait3A_346, %dma_wait3A_347, %dma_wait3A_354] : memref<2x4x50xi32, #tpu.memory_space<vmem>> -> memref<1x1x50xi32, #tpu.memory_space<vmem>>
      %dma_wait3A_356 = tpu.memref_squeeze %dma_wait3A_355 : memref<1x1x50xi32, #tpu.memory_space<vmem>> -> memref<50xi32, #tpu.memory_space<vmem>>
      %dma_wait3A_357 = arith.constant 0 : i32
      %dma_wait3A_358 = arith.constant 0 : i32
      %dma_wait3A_359 = tpu.memref_slice %arg2[%dma_wait3A_357, %dma_wait3A_358] : memref<1000000x200xf32, #tpu.memory_space<hbm>> -> memref<1000000x200xf32, #tpu.memory_space<hbm>>
      tpu.wait_indirect_dma semaphore(%arg10 : memref<!tpu.dma_semaphore, #tpu.memory_space<semaphore_mem>>) src(%dma_wait3A_359 : memref<1000000x200xf32, #tpu.memory_space<hbm>>) dst(%dma_wait3A_353 : memref<50x200xf32, #tpu.memory_space<vmem>>)
      %mul3A_360 = arith.constant 4 : i32
      %mul3A_361 = arith.muli %add3A_303, %mul3A_360 : i32
      %add3A_362 = arith.addi %mul3A_2, %mul3A_361 : i32
      %dma_start3A_363 = arith.constant 1 : i32
      %dma_start3A_364 = arith.constant 0 : i32
      %dma_start3A_365 = arith.constant 0 : i32
      %dma_start3A_366 = arith.constant 0 : i32
      %dma_start3A_367 = tpu.memref_slice %arg6[%dma_start3A_363, %dma_start3A_364, %dma_start3A_365, %dma_start3A_366] : memref<2x4x50x200xf32, #tpu.memory_space<vmem>> -> memref<1x4x50x200xf32, #tpu.memory_space<vmem>>
      %dma_start3A_368 = tpu.memref_squeeze %dma_start3A_367 : memref<1x4x50x200xf32, #tpu.memory_space<vmem>> -> memref<4x50x200xf32, #tpu.memory_space<vmem>>
      %dma_start3A_369 = arith.constant 0 : i32
      %dma_start3A_370 = arith.constant 0 : i32
      %dma_start3A_371 = tpu.memref_slice %arg4[%add3A_362, %dma_start3A_369, %dma_start3A_370] : memref<16384x50x200xf32, #tpu.memory_space<hbm>> -> memref<4x50x200xf32, #tpu.memory_space<hbm>>
      %dma_start3A_372 = arith.constant 0 : i32
      %dma_start3A_373 = arith.constant 0 : i32
      %dma_start3A_374 = tpu.memref_slice %arg4[%add3A_362, %dma_start3A_372, %dma_start3A_373] : memref<16384x50x200xf32, #tpu.memory_space<hbm>> -> memref<4x50x200xf32, #tpu.memory_space<hbm>>
      %dma_start3A_375 = arith.constant 0 : i32
      %dma_start3A_376 = arith.constant 0 : i32
      %dma_start3A_377 = arith.constant 0 : i32
      %dma_start3A_378 = tpu.memref_slice %arg6[%dma_start3A_363, %dma_start3A_375, %dma_start3A_376, %dma_start3A_377] : memref<2x4x50x200xf32, #tpu.memory_space<vmem>> -> memref<1x4x50x200xf32, #tpu.memory_space<vmem>>
      %dma_start3A_379 = tpu.memref_squeeze %dma_start3A_378 : memref<1x4x50x200xf32, #tpu.memory_space<vmem>> -> memref<4x50x200xf32, #tpu.memory_space<vmem>>
      tpu.enqueue_dma source(%dma_start3A_379 : memref<4x50x200xf32, #tpu.memory_space<vmem>>) target(%dma_start3A_374 : memref<4x50x200xf32, #tpu.memory_space<hbm>>) target_semaphore(%arg12 : memref<!tpu.dma_semaphore, #tpu.memory_space<semaphore_mem>>)
      %add3A_380 = arith.constant 2 : i32
      %add3A_381 = arith.addi %add3A_303, %add3A_380 : i32
      %lt3A_382 = arith.constant 128 : i32
      %lt3A_383 = arith.cmpi slt, %add3A_381, %lt3A_382 : i32
      %convert_element_type3A_384 = arith.extui %lt3A_383 : i1 to i32
      %cond3A_385 = arith.constant 0 : i32
      %cond3A_386 = arith.cmpi ne, %convert_element_type3A_384, %cond3A_385 : i32
      scf.if %cond3A_386 {
        %add3A_387 = arith.constant 2 : i32
        %add3A_388 = arith.addi %add3A_303, %add3A_387 : i32
        %mul3A_389 = arith.constant 4 : i32
        %mul3A_390 = arith.muli %add3A_388, %mul3A_389 : i32
        %add3A_391 = arith.addi %mul3A_2, %mul3A_390 : i32
        %dma_start3A_392 = arith.constant 1 : i32
        %dma_start3A_393 = arith.constant 0 : i32
        %dma_start3A_394 = arith.constant 0 : i32
        %dma_start3A_395 = tpu.memref_slice %arg5[%dma_start3A_392, %dma_start3A_393, %dma_start3A_394] : memref<2x4x50xi32, #tpu.memory_space<vmem>> -> memref<1x4x50xi32, #tpu.memory_space<vmem>>
        %dma_start3A_396 = tpu.memref_squeeze %dma_start3A_395 : memref<1x4x50xi32, #tpu.memory_space<vmem>> -> memref<4x50xi32, #tpu.memory_space<vmem>>
        %dma_start3A_397 = arith.constant 0 : i32
        %dma_start3A_398 = tpu.memref_slice %arg3[%add3A_391, %dma_start3A_397] : memref<16384x50xi32, #tpu.memory_space<hbm>> -> memref<4x50xi32, #tpu.memory_space<hbm>>
        %dma_start3A_399 = arith.constant 0 : i32
        %dma_start3A_400 = arith.constant 0 : i32
        %dma_start3A_401 = tpu.memref_slice %arg5[%dma_start3A_392, %dma_start3A_399, %dma_start3A_400] : memref<2x4x50xi32, #tpu.memory_space<vmem>> -> memref<1x4x50xi32, #tpu.memory_space<vmem>>
        %dma_start3A_402 = tpu.memref_squeeze %dma_start3A_401 : memref<1x4x50xi32, #tpu.memory_space<vmem>> -> memref<4x50xi32, #tpu.memory_space<vmem>>
        %dma_start3A_403 = arith.constant 0 : i32
        %dma_start3A_404 = tpu.memref_slice %arg3[%add3A_391, %dma_start3A_403] : memref<16384x50xi32, #tpu.memory_space<hbm>> -> memref<4x50xi32, #tpu.memory_space<hbm>>
        tpu.enqueue_dma source(%dma_start3A_404 : memref<4x50xi32, #tpu.memory_space<hbm>>) target(%dma_start3A_402 : memref<4x50xi32, #tpu.memory_space<vmem>>) target_semaphore(%arg8 : memref<!tpu.dma_semaphore, #tpu.memory_space<semaphore_mem>>)
        %dma_wait3A_405 = arith.constant 1 : i32
        %dma_wait3A_406 = arith.constant 0 : i32
        %dma_wait3A_407 = arith.constant 0 : i32
        %dma_wait3A_408 = tpu.memref_slice %arg5[%dma_wait3A_405, %dma_wait3A_406, %dma_wait3A_407] : memref<2x4x50xi32, #tpu.memory_space<vmem>> -> memref<1x4x50xi32, #tpu.memory_space<vmem>>
        %dma_wait3A_409 = tpu.memref_squeeze %dma_wait3A_408 : memref<1x4x50xi32, #tpu.memory_space<vmem>> -> memref<4x50xi32, #tpu.memory_space<vmem>>
        %dma_wait3A_410 = arith.constant 0 : i32
        %dma_wait3A_411 = arith.constant 0 : i32
        %dma_wait3A_412 = tpu.memref_slice %arg3[%dma_wait3A_410, %dma_wait3A_411] : memref<16384x50xi32, #tpu.memory_space<hbm>> -> memref<4x50xi32, #tpu.memory_space<hbm>>
        %dma_wait3A_413 = arith.constant 0 : i32
        %dma_wait3A_414 = arith.constant 0 : i32
        %dma_wait3A_415 = tpu.memref_slice %arg5[%dma_wait3A_405, %dma_wait3A_413, %dma_wait3A_414] : memref<2x4x50xi32, #tpu.memory_space<vmem>> -> memref<1x4x50xi32, #tpu.memory_space<vmem>>
        %dma_wait3A_416 = tpu.memref_squeeze %dma_wait3A_415 : memref<1x4x50xi32, #tpu.memory_space<vmem>> -> memref<4x50xi32, #tpu.memory_space<vmem>>
        %dma_wait3A_417 = arith.constant 0 : i32
        %dma_wait3A_418 = arith.constant 0 : i32
        %dma_wait3A_419 = tpu.memref_slice %arg3[%dma_wait3A_417, %dma_wait3A_418] : memref<16384x50xi32, #tpu.memory_space<hbm>> -> memref<4x50xi32, #tpu.memory_space<hbm>>
        tpu.wait_dma2 semaphore(%arg8 : memref<!tpu.dma_semaphore, #tpu.memory_space<semaphore_mem>>) src(%dma_wait3A_419 : memref<4x50xi32, #tpu.memory_space<hbm>>) dst(%dma_wait3A_416 : memref<4x50xi32, #tpu.memory_space<vmem>>)
        %dma_wait3A_420 = arith.constant 1 : i32
        %dma_wait3A_421 = arith.constant 0 : i32
        %dma_wait3A_422 = arith.constant 0 : i32
        %dma_wait3A_423 = arith.constant 0 : i32
        %dma_wait3A_424 = tpu.memref_slice %arg6[%dma_wait3A_420, %dma_wait3A_421, %dma_wait3A_422, %dma_wait3A_423] : memref<2x4x50x200xf32, #tpu.memory_space<vmem>> -> memref<1x4x50x200xf32, #tpu.memory_space<vmem>>
        %dma_wait3A_425 = tpu.memref_squeeze %dma_wait3A_424 : memref<1x4x50x200xf32, #tpu.memory_space<vmem>> -> memref<4x50x200xf32, #tpu.memory_space<vmem>>
        %dma_wait3A_426 = arith.constant 0 : i32
        %dma_wait3A_427 = arith.constant 0 : i32
        %dma_wait3A_428 = arith.constant 0 : i32
        %dma_wait3A_429 = tpu.memref_slice %arg4[%dma_wait3A_426, %dma_wait3A_427, %dma_wait3A_428] : memref<16384x50x200xf32, #tpu.memory_space<hbm>> -> memref<4x50x200xf32, #tpu.memory_space<hbm>>
        %dma_wait3A_430 = arith.constant 0 : i32
        %dma_wait3A_431 = arith.constant 0 : i32
        %dma_wait3A_432 = arith.constant 0 : i32
        %dma_wait3A_433 = tpu.memref_slice %arg4[%dma_wait3A_430, %dma_wait3A_431, %dma_wait3A_432] : memref<16384x50x200xf32, #tpu.memory_space<hbm>> -> memref<4x50x200xf32, #tpu.memory_space<hbm>>
        %dma_wait3A_434 = arith.constant 0 : i32
        %dma_wait3A_435 = arith.constant 0 : i32
        %dma_wait3A_436 = arith.constant 0 : i32
        %dma_wait3A_437 = tpu.memref_slice %arg6[%dma_wait3A_420, %dma_wait3A_434, %dma_wait3A_435, %dma_wait3A_436] : memref<2x4x50x200xf32, #tpu.memory_space<vmem>> -> memref<1x4x50x200xf32, #tpu.memory_space<vmem>>
        %dma_wait3A_438 = tpu.memref_squeeze %dma_wait3A_437 : memref<1x4x50x200xf32, #tpu.memory_space<vmem>> -> memref<4x50x200xf32, #tpu.memory_space<vmem>>
        tpu.wait_dma2 semaphore(%arg12 : memref<!tpu.dma_semaphore, #tpu.memory_space<semaphore_mem>>) src(%dma_wait3A_438 : memref<4x50x200xf32, #tpu.memory_space<vmem>>) dst(%dma_wait3A_433 : memref<4x50x200xf32, #tpu.memory_space<hbm>>)
        %dma_start3A_439 = arith.constant 1 : i32
        %dma_start3A_440 = arith.constant 0 : i32
        %dma_start3A_441 = arith.constant 1 : i32
        %dma_start3A_442 = arith.constant 0 : i32
        %dma_start3A_443 = arith.constant 0 : i32
        %dma_start3A_444 = arith.constant 0 : i32
        %dma_start3A_445 = tpu.memref_slice %arg6[%dma_start3A_441, %dma_start3A_442, %dma_start3A_443, %dma_start3A_444] : memref<2x4x50x200xf32, #tpu.memory_space<vmem>> -> memref<1x1x50x200xf32, #tpu.memory_space<vmem>>
        %dma_start3A_446 = tpu.memref_squeeze %dma_start3A_445 : memref<1x1x50x200xf32, #tpu.memory_space<vmem>> -> memref<50x200xf32, #tpu.memory_space<vmem>>
        %dma_start3A_447 = arith.constant 0 : i32
        %dma_start3A_448 = tpu.memref_slice %arg5[%dma_start3A_439, %dma_start3A_440, %dma_start3A_447] : memref<2x4x50xi32, #tpu.memory_space<vmem>> -> memref<1x1x50xi32, #tpu.memory_space<vmem>>
        %dma_start3A_449 = tpu.memref_squeeze %dma_start3A_448 : memref<1x1x50xi32, #tpu.memory_space<vmem>> -> memref<50xi32, #tpu.memory_space<vmem>>
        %dma_start3A_450 = arith.constant 0 : i32
        %dma_start3A_451 = arith.constant 0 : i32
        %dma_start3A_452 = tpu.memref_slice %arg2[%dma_start3A_450, %dma_start3A_451] : memref<1000000x200xf32, #tpu.memory_space<hbm>> -> memref<1000000x200xf32, #tpu.memory_space<hbm>>
        tpu.enqueue_indirect_dma source(%dma_start3A_452 : memref<1000000x200xf32, #tpu.memory_space<hbm>>) target(%dma_start3A_446 : memref<50x200xf32, #tpu.memory_space<vmem>>) offsets(%dma_start3A_449 : memref<50xi32, #tpu.memory_space<vmem>>) semaphore(%arg10 : memref<!tpu.dma_semaphore, #tpu.memory_space<semaphore_mem>>)
        %dma_start3A_453 = arith.constant 1 : i32
        %dma_start3A_454 = arith.constant 1 : i32
        %dma_start3A_455 = arith.constant 1 : i32
        %dma_start3A_456 = arith.constant 1 : i32
        %dma_start3A_457 = arith.constant 0 : i32
        %dma_start3A_458 = arith.constant 0 : i32
        %dma_start3A_459 = tpu.memref_slice %arg6[%dma_start3A_455, %dma_start3A_456, %dma_start3A_457, %dma_start3A_458] : memref<2x4x50x200xf32, #tpu.memory_space<vmem>> -> memref<1x1x50x200xf32, #tpu.memory_space<vmem>>
        %dma_start3A_460 = tpu.memref_squeeze %dma_start3A_459 : memref<1x1x50x200xf32, #tpu.memory_space<vmem>> -> memref<50x200xf32, #tpu.memory_space<vmem>>
        %dma_start3A_461 = arith.constant 0 : i32
        %dma_start3A_462 = tpu.memref_slice %arg5[%dma_start3A_453, %dma_start3A_454, %dma_start3A_461] : memref<2x4x50xi32, #tpu.memory_space<vmem>> -> memref<1x1x50xi32, #tpu.memory_space<vmem>>
        %dma_start3A_463 = tpu.memref_squeeze %dma_start3A_462 : memref<1x1x50xi32, #tpu.memory_space<vmem>> -> memref<50xi32, #tpu.memory_space<vmem>>
        %dma_start3A_464 = arith.constant 0 : i32
        %dma_start3A_465 = arith.constant 0 : i32
        %dma_start3A_466 = tpu.memref_slice %arg2[%dma_start3A_464, %dma_start3A_465] : memref<1000000x200xf32, #tpu.memory_space<hbm>> -> memref<1000000x200xf32, #tpu.memory_space<hbm>>
        tpu.enqueue_indirect_dma source(%dma_start3A_466 : memref<1000000x200xf32, #tpu.memory_space<hbm>>) target(%dma_start3A_460 : memref<50x200xf32, #tpu.memory_space<vmem>>) offsets(%dma_start3A_463 : memref<50xi32, #tpu.memory_space<vmem>>) semaphore(%arg10 : memref<!tpu.dma_semaphore, #tpu.memory_space<semaphore_mem>>)
        %dma_start3A_467 = arith.constant 1 : i32
        %dma_start3A_468 = arith.constant 2 : i32
        %dma_start3A_469 = arith.constant 1 : i32
        %dma_start3A_470 = arith.constant 2 : i32
        %dma_start3A_471 = arith.constant 0 : i32
        %dma_start3A_472 = arith.constant 0 : i32
        %dma_start3A_473 = tpu.memref_slice %arg6[%dma_start3A_469, %dma_start3A_470, %dma_start3A_471, %dma_start3A_472] : memref<2x4x50x200xf32, #tpu.memory_space<vmem>> -> memref<1x1x50x200xf32, #tpu.memory_space<vmem>>
        %dma_start3A_474 = tpu.memref_squeeze %dma_start3A_473 : memref<1x1x50x200xf32, #tpu.memory_space<vmem>> -> memref<50x200xf32, #tpu.memory_space<vmem>>
        %dma_start3A_475 = arith.constant 0 : i32
        %dma_start3A_476 = tpu.memref_slice %arg5[%dma_start3A_467, %dma_start3A_468, %dma_start3A_475] : memref<2x4x50xi32, #tpu.memory_space<vmem>> -> memref<1x1x50xi32, #tpu.memory_space<vmem>>
        %dma_start3A_477 = tpu.memref_squeeze %dma_start3A_476 : memref<1x1x50xi32, #tpu.memory_space<vmem>> -> memref<50xi32, #tpu.memory_space<vmem>>
        %dma_start3A_478 = arith.constant 0 : i32
        %dma_start3A_479 = arith.constant 0 : i32
        %dma_start3A_480 = tpu.memref_slice %arg2[%dma_start3A_478, %dma_start3A_479] : memref<1000000x200xf32, #tpu.memory_space<hbm>> -> memref<1000000x200xf32, #tpu.memory_space<hbm>>
        tpu.enqueue_indirect_dma source(%dma_start3A_480 : memref<1000000x200xf32, #tpu.memory_space<hbm>>) target(%dma_start3A_474 : memref<50x200xf32, #tpu.memory_space<vmem>>) offsets(%dma_start3A_477 : memref<50xi32, #tpu.memory_space<vmem>>) semaphore(%arg10 : memref<!tpu.dma_semaphore, #tpu.memory_space<semaphore_mem>>)
        %dma_start3A_481 = arith.constant 1 : i32
        %dma_start3A_482 = arith.constant 3 : i32
        %dma_start3A_483 = arith.constant 1 : i32
        %dma_start3A_484 = arith.constant 3 : i32
        %dma_start3A_485 = arith.constant 0 : i32
        %dma_start3A_486 = arith.constant 0 : i32
        %dma_start3A_487 = tpu.memref_slice %arg6[%dma_start3A_483, %dma_start3A_484, %dma_start3A_485, %dma_start3A_486] : memref<2x4x50x200xf32, #tpu.memory_space<vmem>> -> memref<1x1x50x200xf32, #tpu.memory_space<vmem>>
        %dma_start3A_488 = tpu.memref_squeeze %dma_start3A_487 : memref<1x1x50x200xf32, #tpu.memory_space<vmem>> -> memref<50x200xf32, #tpu.memory_space<vmem>>
        %dma_start3A_489 = arith.constant 0 : i32
        %dma_start3A_490 = tpu.memref_slice %arg5[%dma_start3A_481, %dma_start3A_482, %dma_start3A_489] : memref<2x4x50xi32, #tpu.memory_space<vmem>> -> memref<1x1x50xi32, #tpu.memory_space<vmem>>
        %dma_start3A_491 = tpu.memref_squeeze %dma_start3A_490 : memref<1x1x50xi32, #tpu.memory_space<vmem>> -> memref<50xi32, #tpu.memory_space<vmem>>
        %dma_start3A_492 = arith.constant 0 : i32
        %dma_start3A_493 = arith.constant 0 : i32
        %dma_start3A_494 = tpu.memref_slice %arg2[%dma_start3A_492, %dma_start3A_493] : memref<1000000x200xf32, #tpu.memory_space<hbm>> -> memref<1000000x200xf32, #tpu.memory_space<hbm>>
        tpu.enqueue_indirect_dma source(%dma_start3A_494 : memref<1000000x200xf32, #tpu.memory_space<hbm>>) target(%dma_start3A_488 : memref<50x200xf32, #tpu.memory_space<vmem>>) offsets(%dma_start3A_491 : memref<50xi32, #tpu.memory_space<vmem>>) semaphore(%arg10 : memref<!tpu.dma_semaphore, #tpu.memory_space<semaphore_mem>>)
      } else {
      }
    }
    %scan3A_176 = arith.constant 64 : i32
    %dma_wait3A_177 = arith.constant 0 : i32
    %dma_wait3A_178 = arith.constant 0 : i32
    %dma_wait3A_179 = arith.constant 0 : i32
    %dma_wait3A_180 = arith.constant 0 : i32
    %dma_wait3A_181 = tpu.memref_slice %arg6[%dma_wait3A_177, %dma_wait3A_178, %dma_wait3A_179, %dma_wait3A_180] : memref<2x4x50x200xf32, #tpu.memory_space<vmem>> -> memref<1x4x50x200xf32, #tpu.memory_space<vmem>>
    %dma_wait3A_182 = tpu.memref_squeeze %dma_wait3A_181 : memref<1x4x50x200xf32, #tpu.memory_space<vmem>> -> memref<4x50x200xf32, #tpu.memory_space<vmem>>
    %dma_wait3A_183 = arith.constant 0 : i32
    %dma_wait3A_184 = arith.constant 0 : i32
    %dma_wait3A_185 = arith.constant 0 : i32
    %dma_wait3A_186 = tpu.memref_slice %arg4[%dma_wait3A_183, %dma_wait3A_184, %dma_wait3A_185] : memref<16384x50x200xf32, #tpu.memory_space<hbm>> -> memref<4x50x200xf32, #tpu.memory_space<hbm>>
    %dma_wait3A_187 = arith.constant 0 : i32
    %dma_wait3A_188 = arith.constant 0 : i32
    %dma_wait3A_189 = arith.constant 0 : i32
    %dma_wait3A_190 = tpu.memref_slice %arg4[%dma_wait3A_187, %dma_wait3A_188, %dma_wait3A_189] : memref<16384x50x200xf32, #tpu.memory_space<hbm>> -> memref<4x50x200xf32, #tpu.memory_space<hbm>>
    %dma_wait3A_191 = arith.constant 0 : i32
    %dma_wait3A_192 = arith.constant 0 : i32
    %dma_wait3A_193 = arith.constant 0 : i32
    %dma_wait3A_194 = tpu.memref_slice %arg6[%dma_wait3A_177, %dma_wait3A_191, %dma_wait3A_192, %dma_wait3A_193] : memref<2x4x50x200xf32, #tpu.memory_space<vmem>> -> memref<1x4x50x200xf32, #tpu.memory_space<vmem>>
    %dma_wait3A_195 = tpu.memref_squeeze %dma_wait3A_194 : memref<1x4x50x200xf32, #tpu.memory_space<vmem>> -> memref<4x50x200xf32, #tpu.memory_space<vmem>>
    tpu.wait_dma2 semaphore(%arg11 : memref<!tpu.dma_semaphore, #tpu.memory_space<semaphore_mem>>) src(%dma_wait3A_195 : memref<4x50x200xf32, #tpu.memory_space<vmem>>) dst(%dma_wait3A_190 : memref<4x50x200xf32, #tpu.memory_space<hbm>>)
    %dma_wait3A_196 = arith.constant 1 : i32
    %dma_wait3A_197 = arith.constant 0 : i32
    %dma_wait3A_198 = arith.constant 0 : i32
    %dma_wait3A_199 = arith.constant 0 : i32
    %dma_wait3A_200 = tpu.memref_slice %arg6[%dma_wait3A_196, %dma_wait3A_197, %dma_wait3A_198, %dma_wait3A_199] : memref<2x4x50x200xf32, #tpu.memory_space<vmem>> -> memref<1x4x50x200xf32, #tpu.memory_space<vmem>>
    %dma_wait3A_201 = tpu.memref_squeeze %dma_wait3A_200 : memref<1x4x50x200xf32, #tpu.memory_space<vmem>> -> memref<4x50x200xf32, #tpu.memory_space<vmem>>
    %dma_wait3A_202 = arith.constant 0 : i32
    %dma_wait3A_203 = arith.constant 0 : i32
    %dma_wait3A_204 = arith.constant 0 : i32
    %dma_wait3A_205 = tpu.memref_slice %arg4[%dma_wait3A_202, %dma_wait3A_203, %dma_wait3A_204] : memref<16384x50x200xf32, #tpu.memory_space<hbm>> -> memref<4x50x200xf32, #tpu.memory_space<hbm>>
    %dma_wait3A_206 = arith.constant 0 : i32
    %dma_wait3A_207 = arith.constant 0 : i32
    %dma_wait3A_208 = arith.constant 0 : i32
    %dma_wait3A_209 = tpu.memref_slice %arg4[%dma_wait3A_206, %dma_wait3A_207, %dma_wait3A_208] : memref<16384x50x200xf32, #tpu.memory_space<hbm>> -> memref<4x50x200xf32, #tpu.memory_space<hbm>>
    %dma_wait3A_210 = arith.constant 0 : i32
    %dma_wait3A_211 = arith.constant 0 : i32
    %dma_wait3A_212 = arith.constant 0 : i32
    %dma_wait3A_213 = tpu.memref_slice %arg6[%dma_wait3A_196, %dma_wait3A_210, %dma_wait3A_211, %dma_wait3A_212] : memref<2x4x50x200xf32, #tpu.memory_space<vmem>> -> memref<1x4x50x200xf32, #tpu.memory_space<vmem>>
    %dma_wait3A_214 = tpu.memref_squeeze %dma_wait3A_213 : memref<1x4x50x200xf32, #tpu.memory_space<vmem>> -> memref<4x50x200xf32, #tpu.memory_space<vmem>>
    tpu.wait_dma2 semaphore(%arg12 : memref<!tpu.dma_semaphore, #tpu.memory_space<semaphore_mem>>) src(%dma_wait3A_214 : memref<4x50x200xf32, #tpu.memory_space<vmem>>) dst(%dma_wait3A_209 : memref<4x50x200xf32, #tpu.memory_space<hbm>>)
    return
  }
}

</mosaic_0001>

<sc_bundles>
// kernel: kernel.3.cloned.1.call-start
scs
__scs_entry_jumppad:
0x0: {  	(pc) =	sbr.rel $0x88, $3  }
0x1: {  	(tag) =	ssettag $0x0;
	lr =	simm.s32 $0x1  }
0x2: {  	[smem:$0x3F9F] =	sst lr;
	_ =	strace $0xD0000000  }
0x3: {  	_ = 	snop  }
0x4: {  	_ = 	snop  }
0x5: {  	_ = 	snop  }
0x6: {  	_ = 	snop  }
0x7: {  	_ = 	snop  }
__scs_overlays_trampoline_lowered:
0x8: {  	[smem:$0x3FAE] =	sst s0  }
0x9: {  	[smem:$0x3FAF] =	sst s1  }
0xa: {  	[smem:$0x3FB0] =	sst s2  }
0xb: {  	[smem:$0x3FB1] =	sst s3  }
0xc: {  	[smem:$0x3FB2] =	sst s4  }
0xd: {  	[smem:$0x3FB3] =	sst s5  }
0xe: {  	[smem:$0x3FB4] =	sst s6  }
0xf: {  	[smem:$0x3FB5] =	sst s7  }
0x10: {  	[smem:$0x3FB6] =	sst s8  }
0x11: {  	[smem:$0x3FB7] =	sst s9;
	s0 =	simm.s32 @!p0 $0x0  }
0x12: {  	s1 =	sld [smem:$0x3F9D];
	s0 =	simm.s32 @p0 $0x1  }
0x13: {  	[smem:$0x3FB8] =	sst s0;
	s0 =	simm.s32 @!p1 $0x0  }
0x14: {  	s2 =	sld [smem:$0x3F9C];
	s0 =	simm.s32 @p1 $0x1  }
0x15: {  	[smem:$0x3FB9] =	sst s0;
	s0 =	simm.s32 @!p2 $0x0  }
0x16: {  	s3 =	sld [smem:$0x3FDB];
	s0 =	simm.s32 @p2 $0x1  }
0x17: {  	s4 =	simm.s32 $0x1BF5;
	[smem:$0x3FBB] =	sst s0  }
0x18: {  	s0 =	sld [smem:$0x3F9E];
	_ =	swait.ge [sflag:s4], $0x0  }
0x19: {  	s7 =	sld [smem:$0x3F9F]  }
0x1a: {  	s8 =	sadd.s32 $0xFFFFE003, lr  }
0x1b: {  	s9 =	sadd.s32 $0xFFFFFEF7, lr;
	s5 =	simm.s32 $0xFFFFFFFF;
	p2 =	slt.u32 s8, $0xFFFFF086  }
0x1c: {  	p1 =	slt.u32 s9, $0xF7A;
	s5 =	simm.s32 @!p2 $0x0  }
0x1d: {  	s5 =	simm.s32 @p1 $0x1;
	p0 =	seq.s32 s7, s2  }
0x1e: {  	s7 =	smul.u32 @!p0 $0xF7A, s2;
	p2 =	seq.s32 @!p0 s5, $0x0  }
0x1f: {  	s9 =	smul.u32 $0xF7A, s1;
	s8 =	simm.s32 @!p0 $0x1BF5;
	p2 =	por !p2, p0  }
0x20: {  	[sflag:s8] =	ssyncset.s32 @!p0 $0xFFFFF086;
	s6 =	sadd.s32 @!p0 s3, s7;
	s7 =	simm.s32 @!p0 $0x108  }
0x21: {  	s3 =	sadd.s32 s3, s9;
	s6 =	sadd.s32 @!p0 $0x88, s6;
	s7 =	simm.s32 @p2 $0x1082  }
0x22: {  	[simem:s7], [sflag:s8] =	dma.local @!p0 [hbm:s6], $0xF7A  }
0x23: {  	s9 =	sor.u32 $0xD0000000, s2;
	s6 =	simm.s32 $0x108;
	_ =	swait.ge @!p0 [sflag:s8], $0x0  }
0x24: {  	s3 =	sadd.s32 $0x88, s3;
	s6 =	simm.s32 @!p1 $0x1082;
	[sflag:s4] =	ssyncset.s32 $0xFFFFF086  }
0x25: {  	[simem:s6], [sflag:s4] =	dma.local [hbm:s3], $0xF7A  }
0x26: {  	[smem:$0x3F9F] =	sst s1;
	(tag) =	ssettag s2;
	_ =	strace s9  }
0x27: {  	s1 =	sld [smem:$0x3FAF]  }
0x28: {  	s2 =	sld [smem:$0x3FB0]  }
0x29: {  	s4 =	sld [smem:$0x3FB2]  }
0x2a: {  	p0 =	seq.s32 s5, $0x0;
	s5 =	sld [smem:$0x3FB3]  }
0x2b: {  	s6 =	sld [smem:$0x3FB4]  }
0x2c: {  	s7 =	sld [smem:$0x3FB5]  }
0x2d: {  	s3 =	simm.s32 $0x108;
	s8 =	sld [smem:$0x3FB6]  }
0x2e: {  	s3 =	simm.s32 @!p0 $0x1082;
	s9 =	sld [smem:$0x3FB7]  }
0x2f: {  	lr =	sadd.s32 s0, s3;
	s0 =	sld [smem:$0x3FAE]  }
0x30: {  	s3 =	sld [smem:$0x3FB1]  }
0x31: {  	[smem:$0x3FBA] =	sst s10  }
0x32: {  	s10 =	sld [smem:$0x3FB8];
	_ =	sdelay $0x3  }
0x33: {  	p0 =	seq.s32 s10, $0x1;
	s10 =	sld [smem:$0x3FBA];
	_ =	sdelay $0x3  }
0x34: {  	[smem:$0x3FBA] =	sst s10  }
0x35: {  	s10 =	sld [smem:$0x3FB9];
	_ =	sdelay $0x3  }
0x36: {  	p1 =	seq.s32 s10, $0x1;
	s10 =	sld [smem:$0x3FBA];
	_ =	sdelay $0x3  }
0x37: {  	[smem:$0x3FBA] =	sst s10  }
0x38: {  	s10 =	sld [smem:$0x3FBB]  }
0x39: {  	_ = 	snop;
	(pc) =	sbr.ind lr, $3  }
0x3a: {  	_ = 	snop  }
0x3b: {  	_ = 	snop  }
0x3c: {  	p2 =	seq.s32 s10, $0x1;
	s10 =	sld [smem:$0x3FBA]  }
0x3d: {  	_ =	shalt  }
0x3e: {  	_ =	shalt  }
0x3f: {  	_ =	shalt  }
0x40: {  	_ =	shalt  }
0x41: {  	_ =	shalt  }
0x42: {  	_ =	shalt  }
0x43: {  	_ =	shalt  }
0x44: {  	_ =	shalt  }
0x45: {  	_ =	shalt  }
0x46: {  	_ =	shalt  }
0x47: {  	_ =	shalt  }
0x48: {  	_ =	shalt  }
0x49: {  	_ =	shalt  }
0x4a: {  	_ =	shalt  }
0x4b: {  	_ =	shalt  }
0x4c: {  	_ =	shalt  }
0x4d: {  	_ =	shalt  }
0x4e: {  	_ =	shalt  }
0x4f: {  	_ =	shalt  }
0x50: {  	_ =	shalt  }
0x51: {  	_ =	shalt  }
0x52: {  	_ =	shalt  }
0x53: {  	_ =	shalt  }
0x54: {  	_ =	shalt  }
0x55: {  	_ =	shalt  }
0x56: {  	_ =	shalt  }
0x57: {  	_ =	shalt  }
0x58: {  	_ =	shalt  }
0x59: {  	_ =	shalt  }
0x5a: {  	_ =	shalt  }
0x5b: {  	_ =	shalt  }
0x5c: {  	_ =	shalt  }
0x5d: {  	_ =	shalt  }
0x5e: {  	_ =	shalt  }
0x5f: {  	_ =	shalt  }
0x60: {  	_ =	shalt  }
0x61: {  	_ =	shalt  }
0x62: {  	_ =	shalt  }
0x63: {  	_ =	shalt  }
0x64: {  	_ =	shalt  }
0x65: {  	_ =	shalt  }
0x66: {  	_ =	shalt  }
0x67: {  	_ =	shalt  }
0x68: {  	_ =	shalt  }
0x69: {  	_ =	shalt  }
0x6a: {  	_ =	shalt  }
0x6b: {  	_ =	shalt  }
0x6c: {  	_ =	shalt  }
0x6d: {  	_ =	shalt  }
0x6e: {  	_ =	shalt  }
0x6f: {  	_ =	shalt  }
0x70: {  	_ =	shalt  }
0x71: {  	_ =	shalt  }
0x72: {  	_ =	shalt  }
0x73: {  	_ =	shalt  }
0x74: {  	_ =	shalt  }
0x75: {  	_ =	shalt  }
0x76: {  	_ =	shalt  }
0x77: {  	_ =	shalt  }
0x78: {  	_ =	shalt  }
0x79: {  	_ =	shalt  }
0x7a: {  	_ =	shalt  }
0x7b: {  	_ =	shalt  }
0x7c: {  	_ =	shalt  }
0x7d: {  	_ =	shalt  }
0x7e: {  	_ =	shalt  }
0x7f: {  	_ =	shalt  }
0x80: {  	_ =	shalt  }
0x81: {  	_ =	shalt  }
0x82: {  	_ =	shalt  }
0x83: {  	_ =	shalt  }
0x84: {  	_ =	shalt  }
0x85: {  	_ =	shalt  }
0x86: {  	_ =	shalt  }
0x87: {  	_ =	shalt  }
.Lfunc_end0:
.L_simem_size_0:
called_computation.1_lowered:
.L_overlay_start_0:
0x88: {  	s2 =	sld [smem:$0x3FD9]  }
0x89: {  	s3 =	sld [smem:$0x3FFE];
	_ =	sdelay $0x1  }
0x8a: {  	s1 =	srdreg.scid  }
0x8b: {  	s0 =	sand.u32 $0x1, s1  }
0x8c: {  	s17 =	sshll.u32 s0, $0xA;
	s2 =	sadd.s32 s3, s2  }
0x8d: {  	s2 =	sadd.s32 s2, s17  }
0x8e: {  	[smem:$0x3FC6] =	sst s2  }
0x8f: {  	_ = 	snop  }
0x90: {  	s2 =	sld [smem:$0x3FD0];
	(tm) =	ssettm $0x1  }
0x91: {  	s18 =	sld [smem:$0x3FFB];
	_ =	sdelay $0x3  }
0x92: {  	_ =	strace s18  }
0x93: {  	s3 =	sld [smem:$0x3FFC];
	_ =	sdelay $0x3  }
0x94: {  	_ =	strace s3  }
0x95: {  	s3 =	sld [smem:$0x3FFD];
	_ =	sdelay $0x3  }
0x96: {  	_ =	strace s3  }
0x97: {  	_ =	strace $0x8FFFFFFF  }
0x98: {  	s19 =	sld [smem:$0x3FDB];
	_ =	sdelay $0x1  }
0x99: {  	s4 =	simm.s32 $_scs_section_size  }
0x9a: {  	s5 =	simm.s32 $_size__tile_overlayer_lowered;
	s6 =	simm.s32 $_tile_overlayer_lowered  }
0x9b: {  	s22 =	simm.s32 $0x1BFF;
	s21 =	sshll.u32 s6, $0x1;
	s3 =	sadd.s32 s4, s19  }
0x9c: {  	s7 =	simm.s32 $0x0;
	s20 =	sshll.u32 s5, $0x1;
	s5 =	sadd.s32 s21, s3  }
0x9d: {  	[timem:s7], [sflag:s22] =	dma.local [hbm:s5], s20  }
0x9e: {  	_ =	swait.ge [sflag:s22], s20  }
0x9f: {  	s4 =	ssub.s32 $0x0, s20;
	[sflag:s22] =	ssyncset.done $0x0  }
0xa0: {  	[sflag:s22] =	ssyncadd.s32 s4;
	_ =	sdelay $0x1  }
0xa1: {  	s23 =	simm.s32 $0x1B8B  }
0xa2: {  	_ =	swait.ge [sflag:s23], $0x1  }
0xa3: {  	[sflag:s23] =	ssyncset.done $0x0  }
0xa4: {  	s25 =	simm.s32 $0x1B8E;
	s24 =	sld [smem:$0x3FFE];
	[sflag:s23] =	ssyncadd.s32 $0xFFFFFFFF  }
0xa5: {  	s26 =	simm.s32 $execute0_lowered;
	[smem:$0x3FD2] =	sst s25  }
0xa6: {  	s5 =	sshll.u32 s26, $0x1;
	_ =	strace $0x80000046;
	[dreg:$0x1] =	wrdreg $0xFFFFFFFF  }
0xa7: {  	s28 =	simm.s32 $_size_execute0_lowered;
	s3 =	sadd.s32 s3, s5;
	[dreg:$0x0] =	wrdreg $0x0  }
0xa8: {  	s5 =	sshll.u32 s28, $0x1;
	[dreg:$0x2] =	wrdreg s3  }
0xa9: {  	[dreg:$0x3] =	wrdreg s5  }
0xaa: {  	[dreg:$0x4] =	wrdreg $0xC0  }
0xab: {  	_ =	task [dreg:s7], $0x5FFFF  }
0xac: {  	[dreg:$0x1] =	wrdreg $0xFFFFFFFF  }
0xad: {  	[dreg:$0x0] =	wrdreg $0x60  }
0xae: {  	[dreg:$0x2] =	wrdreg s24  }
0xaf: {  	[dreg:$0x3] =	wrdreg s2  }
0xb0: {  	[dreg:$0x4] =	wrdreg $0x9  }
0xb1: {  	_ =	task.clear_ibuf [dreg:s7], $0x5FFFF;
	_ =	strace $0x90000046  }
0xb2: {  	s29 =	simm.s32 $0x9;
	_ =	strace $0x80000048  }
0xb3: {  	_ =	swait.ge [sflag:s29], $0x1  }
0xb4: {  	[sflag:s29] =	ssyncadd.s32 $0xFFFFFFFF  }
0xb5: {  	_ =	strace $0x90000048  }
0xb6: {  	_ =	sfence  }
0xb7: {  	s30 =	sld [smem:$0x0];
	_ =	sdelay $0x2  }
0xb8: {  	s31 =	sshll.u32 s1, $0xD;
	s1 =	sshrl.u32 s1, $0x2  }
0xb9: {  	s3 =	sand.u32 $0x4000, s31;
	s1 =	sadd.s32 s1, s30  }
0xba: {  	s0 =	sor.u32 s3, s0;
	s1 =	sshll.u32 s1, $0x11  }
0xbb: {  	s0 =	sor.u32 s1, s0  }
0xbc: {  	s0 =	sadd.s32 $0x8F2B, s0  }
0xbd: {  	[sflag:s0] =	ssyncadd.remote.s32 $0x1  }
0xbe: {  	_ =	sfence.sel $0xFFFF  }
0xbf: {  	[dreg:$0x0] =	wrdreg $0xFFFFFFFF;
	(pc) =	sbr.abs _section_cstart, $3  }
0xc0: {  	[dreg:$0x1] =	wrdreg $0xFFFFFFFF  }
0xc1: {  	_ =	task.clear_ibuf [dreg:s7], $0x2FFFF;
	_ =	strace $0x9FFFFFFF  }
0xc2: {  	(tm) =	ssettm $0x7FFFFFFF  }
0xc3: {  	_ =	shalt  }
tec
execute0_lowered:
.L_overlay_start_1:
0x0: {  	(tag) =	ssettag $0x1  }
0x1: {  	s0 =	rddreg [dreg:$0x0]  }
0x2: {  	s1 =	rddreg [dreg:$0x1];
	s2 =	srdreg.scid  }
0x3: {  	s10 =	stileid.u32;
	s12 =	simm.s32 $0x1C0;
	s17 =	simm.s32 $0xA8  }
0x4: {  	s18 =	simm.s32 $0x76F0;
	s19 =	simm.s32 $0x2;
	s20 =	simm.s32 $0x9E00  }
0x5: {  	s21 =	simm.s32 $0x118;
	s22 =	simm.s32 $0xC510;
	s23 =	simm.s32 $0x150  }
0x6: {  	s24 =	simm.s32 $0xEC20;
	s25 =	simm.s32 $0x188;
	s28 =	simm.s32 $0x3  }
0x7: {  	s29 =	simm.s32 $0x4;
	s30 =	simm.s32 $0x5;
	s31 =	simm.s32 $0x6  }
0x8: {  	s6 =	sand.u32 $0x1, s2;
	s2 =	simm.s32 $0x0;
	s7 =	smul.u32 $0x1C00, s10  }
0x9: {  	s3 =	sshll.u32 s10, $0xA;
	s10 =	smul.u32 $0x138800, s10;
	s4 =	sshll.u32 s6, $0x9  }
0xa: {  	[smem:$0x7FF] =	sst s2;
	s5 =	ssub.s32 $0x2, s6;
	s9 =	smul.u32 $0xE00, s6  }
0xb: {  	s11 =	smul.u32 $0x9C400, s6;
	s3 =	sor.u32 s4, s3;
	_ =	strace $0x80000047  }
0xc: {  	s8 =	sshrl.u32 s5, $0x1;
	s26 =	sadd.s32 s10, s1;
	s4 =	smul.u32 $0x7, s3  }
.Ltmp0:
0xd: {  	s10 =	simm.s32 $0x1;
	s3 =	sadd.s32 $0x1E85200, s0;
	(pc) =	sbr.rel .LBB2_1-.Ltmp0, $4  }
0xe: {  	s0 =	sadd.s32 $0xA00, s0;
	s8 =	ssub.s32 s5, s8;
	s1 =	sadd.s32 s11, s26  }
0xf: {  	s11 =	simm.s32 $0x32;
	s26 =	simm.s32 $0x11330;
	s4 =	sadd.s32 s0, s4  }
0x10: {  	s6 =	smax.u32 s8, $0x1;
	s0 =	sadd.s32 s7, s0;
	s5 =	sadd.s32 $0x1C, s4  }
0x11: {  	s7 =	sadd.s32 s9, s0;
	s9 =	simm.s32 $0xE0;
	s0 =	simm.s32 $0x0  }
.LBB2_4:
0x12: {  	s0 =	sadd.s32 $0x1, s0  }
0x13: {  	_ =	swait.ge [sflag:s30], $0x9C40;
	p0 =	sne.s32 s0, s6  }
.Ltmp1:
0x14: {  	[sflag:s30] =	ssyncset.done $0x0;
	(pc) =	sbr.rel @!p0 .LBB2_5-.Ltmp1, $4  }
0x15: {  	[sflag:s30] =	ssyncadd.s32 $0xFFFF63C0  }
0x16: {  	_ =	swait.ge [sflag:s31], $0x9C40  }
0x17: {  	[sflag:s31] =	ssyncset.done $0x0  }
0x18: {  	[sflag:s31] =	ssyncadd.s32 $0xFFFF63C0  }
.LBB2_1:
0x19: {  	[tilespmem:s2], [sflag:$0x1] =	stream.linear.gather [hbm4b:s4+s2], $0xE0, $0x38;
	[tilespmem:$0x13A40] =	vst v63  }
0x1a: {  	_ = 	snop  }
0x1b: {  	[tilespmem:s9], [sflag:$0x2] =	stream.linear.gather [hbm4b:s5+s2], $0xE0, $0x38;
	[tilespmem:$0x13A40] =	vst v63  }
0x1c: {  	_ =	swait.ge [sflag:s10], $0xE0  }
0x1d: {  	[sflag:s10] =	ssyncset.done $0x0  }
0x1e: {  	[sflag:s10] =	ssyncadd.s32 $0xFFFFFF20  }
0x1f: {  	[tilespmem:s12], [sflag:$0x3] =	stream.indirect.gather [hbm4b:s3+s11], $0xC8, s2, s11, $0xb8;
	[tilespmem:$0x13A40] =	vst v63  }
0x20: {  	s8 =	simm.s32 $0x38;
	s13 =	simm.s32 $0x28D0  }
0x21: {  	[tilespmem:s13], [sflag:$0x3] =	stream.indirect.gather [hbm4b:s3+s11], $0xC8, s8, s11, $0xb8;
	[tilespmem:$0x13A40] =	vst v63  }
0x22: {  	s15 =	simm.s32 $0x70;
	s16 =	simm.s32 $0x4FE0  }
0x23: {  	[tilespmem:s16], [sflag:$0x3] =	stream.indirect.gather [hbm4b:s3+s11], $0xC8, s15, s11, $0xb8;
	[tilespmem:$0x13A40] =	vst v63  }
0x24: {  	_ = 	snop  }
0x25: {  	[tilespmem:s18], [sflag:$0x3] =	stream.indirect.gather [hbm4b:s3+s11], $0xC8, s17, s11, $0xb8;
	[tilespmem:$0x13A40] =	vst v63  }
0x26: {  	_ =	swait.ge [sflag:s19], $0xE0  }
0x27: {  	[sflag:s19] =	ssyncset.done $0x0  }
0x28: {  	[sflag:s19] =	ssyncadd.s32 $0xFFFFFF20  }
0x29: {  	[tilespmem:s20], [sflag:$0x4] =	stream.indirect.gather [hbm4b:s3+s11], $0xC8, s9, s11, $0xb8;
	[tilespmem:$0x13A40] =	vst v63  }
0x2a: {  	_ = 	snop  }
0x2b: {  	[tilespmem:s22], [sflag:$0x4] =	stream.indirect.gather [hbm4b:s3+s11], $0xC8, s21, s11, $0xb8;
	[tilespmem:$0x13A40] =	vst v63  }
0x2c: {  	_ = 	snop  }
0x2d: {  	[tilespmem:s24], [sflag:$0x4] =	stream.indirect.gather [hbm4b:s3+s11], $0xC8, s23, s11, $0xb8;
	[tilespmem:$0x13A40] =	vst v63  }
0x2e: {  	s8 =	smov.u32 s1;
	s13 =	simm.s32 $0x0  }
0x2f: {  	[tilespmem:s26], [sflag:$0x4] =	stream.indirect.gather [hbm4b:s3+s11], $0xC8, s25, s11, $0xb8;
	[tilespmem:$0x13A40] =	vst v63  }
.LBB2_2:
0x30: {  	_ =	swait.ge [sflag:s28], $0x2710  }
0x31: {  	[sflag:s28] =	ssyncset.done $0x0  }
0x32: {  	[sflag:s28] =	ssyncadd.s32 $0xFFFFD8F0  }
0x33: {  	_ =	swait.ge [sflag:s28], $0x2710  }
0x34: {  	[sflag:s28] =	ssyncset.done $0x0  }
0x35: {  	[sflag:s28] =	ssyncadd.s32 $0xFFFFD8F0  }
0x36: {  	_ =	swait.ge [sflag:s28], $0x2710  }
0x37: {  	[sflag:s28] =	ssyncset.done $0x0  }
0x38: {  	[sflag:s28] =	ssyncadd.s32 $0xFFFFD8F0  }
0x39: {  	_ =	swait.ge [sflag:s28], $0x2710  }
0x3a: {  	p0 =	seq.s32 s13, $0xDC8;
	[sflag:s28] =	ssyncset.done $0x0  }
0x3b: {  	s14 =	sadd.s32 @!p0 s13, s7;
	[sflag:s28] =	ssyncadd.s32 $0xFFFFD8F0  }
0x3c: {  	[hbm4b:s8+s2] =	stream.linear.scatter [tilespmem:s12], [sflag:$0x5], $0x9C40, $0x38;
	[tilespmem:$0x13A40] =	vst v63  }
0x3d: {  	s15 =	simm.s32 @!p0 $0x0;
	s14 =	sadd.s32 @!p0 $0x38, s14  }
0x3e: {  	[tilespmem:s15], [sflag:$0x1] =	stream.linear.gather @!p0 [hbm4b:s14+s15], $0xE0, $0x38;
	[tilespmem:$0x13A40] =	vst v63  }
0x3f: {  	s14 =	simm.s32 @!p0 $0x1  }
0x40: {  	_ =	swait.ge @!p0 [sflag:s14], $0xE0  }
0x41: {  	[sflag:s14] =	ssyncset.done @!p0 $0x0  }
0x42: {  	[sflag:s14] =	ssyncadd.s32 @!p0 $0xFFFFFF20;
	s14 =	simm.s32 @!p0 $0x5  }
0x43: {  	_ =	swait.ge @!p0 [sflag:s14], $0x9C40  }
0x44: {  	[sflag:s14] =	ssyncset.done @!p0 $0x0  }
0x45: {  	s16 =	simm.s32 @!p0 $0x1C0;
	[sflag:s14] =	ssyncadd.s32 @!p0 $0xFFFF63C0;
	s14 =	simm.s32 @!p0 $0x32  }
0x46: {  	[tilespmem:s16], [sflag:$0x3] =	stream.indirect.gather @!p0 [hbm4b:s3+s14], $0xC8, s15, s14, $0xb8;
	[tilespmem:$0x13A40] =	vst v63  }
0x47: {  	s15 =	simm.s32 @!p0 $0x38;
	s16 =	simm.s32 @!p0 $0x28D0  }
0x48: {  	[tilespmem:s16], [sflag:$0x3] =	stream.indirect.gather @!p0 [hbm4b:s3+s14], $0xC8, s15, s14, $0xb8;
	[tilespmem:$0x13A40] =	vst v63  }
0x49: {  	s15 =	simm.s32 @!p0 $0x70;
	s16 =	simm.s32 @!p0 $0x4FE0  }
0x4a: {  	[tilespmem:s16], [sflag:$0x3] =	stream.indirect.gather @!p0 [hbm4b:s3+s14], $0xC8, s15, s14, $0xb8;
	[tilespmem:$0x13A40] =	vst v63  }
0x4b: {  	s15 =	simm.s32 @!p0 $0xA8;
	s16 =	simm.s32 @!p0 $0x76F0  }
0x4c: {  	[tilespmem:s16], [sflag:$0x3] =	stream.indirect.gather @!p0 [hbm4b:s3+s14], $0xC8, s15, s14, $0xb8;
	[tilespmem:$0x13A40] =	vst v63  }
0x4d: {  	_ =	swait.ge [sflag:s29], $0x2710  }
0x4e: {  	[sflag:s29] =	ssyncset.done $0x0  }
0x4f: {  	[sflag:s29] =	ssyncadd.s32 $0xFFFFD8F0  }
0x50: {  	_ =	swait.ge [sflag:s29], $0x2710  }
0x51: {  	[sflag:s29] =	ssyncset.done $0x0  }
0x52: {  	[sflag:s29] =	ssyncadd.s32 $0xFFFFD8F0  }
0x53: {  	_ =	swait.ge [sflag:s29], $0x2710  }
0x54: {  	[sflag:s29] =	ssyncset.done $0x0  }
.Ltmp2:
0x55: {  	[sflag:s29] =	ssyncadd.s32 $0xFFFFD8F0;
	(pc) =	sbr.rel @p0 .LBB2_4-.Ltmp2, $4  }
0x56: {  	_ =	swait.ge [sflag:s29], $0x2710  }
0x57: {  	[sflag:s29] =	ssyncset.done $0x0  }
0x58: {  	s16 =	sadd.s32 $0x1388, s8;
	[sflag:s29] =	ssyncadd.s32 $0xFFFFD8F0  }
0x59: {  	[hbm4b:s16+s2] =	stream.linear.scatter [tilespmem:s20], [sflag:$0x6], $0x9C40, $0x38;
	[tilespmem:$0x13A40] =	vst v63  }
0x5a: {  	s14 =	sadd.s32 s13, s7  }
0x5b: {  	s14 =	sadd.s32 $0x54, s14  }
0x5c: {  	[tilespmem:s9], [sflag:$0x2] =	stream.linear.gather [hbm4b:s14+s2], $0xE0, $0x38;
	[tilespmem:$0x13A40] =	vst v63  }
0x5d: {  	_ =	swait.ge [sflag:s19], $0xE0  }
0x5e: {  	[sflag:s19] =	ssyncset.done $0x0  }
0x5f: {  	[sflag:s19] =	ssyncadd.s32 $0xFFFFFF20  }
0x60: {  	_ =	swait.ge [sflag:s31], $0x9C40  }
0x61: {  	[sflag:s31] =	ssyncset.done $0x0  }
0x62: {  	[sflag:s31] =	ssyncadd.s32 $0xFFFF63C0  }
0x63: {  	[tilespmem:s20], [sflag:$0x4] =	stream.indirect.gather [hbm4b:s3+s11], $0xC8, s9, s11, $0xb8;
	[tilespmem:$0x13A40] =	vst v63  }
0x64: {  	_ = 	snop  }
0x65: {  	[tilespmem:s22], [sflag:$0x4] =	stream.indirect.gather [hbm4b:s3+s11], $0xC8, s21, s11, $0xb8;
	[tilespmem:$0x13A40] =	vst v63  }
.Ltmp3:
0x66: {  	_ = 	snop;
	(pc) =	sbr.rel .LBB2_2-.Ltmp3, $4  }
0x67: {  	_ = 	snop  }
0x68: {  	[tilespmem:s24], [sflag:$0x4] =	stream.indirect.gather [hbm4b:s3+s11], $0xC8, s23, s11, $0xb8;
	[tilespmem:$0x13A40] =	vst v63  }
0x69: {  	s13 =	sadd.s32 $0x38, s13;
	s8 =	sadd.s32 $0x2710, s8  }
0x6a: {  	[tilespmem:s26], [sflag:$0x4] =	stream.indirect.gather [hbm4b:s3+s11], $0xC8, s25, s11, $0xb8;
	[tilespmem:$0x13A40] =	vst v63  }
.LBB2_5:
0x6b: {  	_ =	sfence.sel $0x180000  }
0x6c: {  	[bflag:$0x0] =	sbarrier.arrive $0xFFFF  }
0x6d: {  	_ =	strace $0x90000047  }
0x6e: {  	s0 =	stileid.u32;
	[bflag:$0x2] =	sbarrier.arrive $0xFFFF  }
0x6f: {  	p0 =	sne.s32 s0, $0x0;
	s0 =	rddreg [dreg:$0x2]  }
0x70: {  	s0 =	sadd.s32 @!p0 $0x100000, s0  }
0x71: {  	[sflag:s0] =	ssyncadd.tile.s32 @!p0 $0x1;
	_ =	shalt  }
.Lfunc_end2:
_tile_overlayer_lowered:
.L_overlay_start_2:
0x72: {  	(tag) =	ssettag $0x2  }
0x73: {  	s0 =	rddreg [dreg:$0x0];
	s2 =	stileid.u32  }
0x74: {  	s1 =	rddreg [dreg:$0x1];
	p0 =	sne.s32 s2, $0x0  }
0x75: {  	s3 =	rddreg [dreg:$0x2];
	[bflag:$0x3] =	sbarrier.arrive $0xFFFF;
	s2 =	simm.s32 @!p0 $0x1C07  }
0x76: {  	[timem:s3], [sflag:s2] =	dma.local @!p0 [hbm:s0], s1  }
0x77: {  	s0 =	simm.s32 @!p0 $0x7  }
0x78: {  	_ =	swait.ge @!p0 [sflag:s0], s1  }
0x79: {  	s1 =	ssub.s32 @!p0 $0x0, s1;
	[sflag:s0] =	ssyncset.done @!p0 $0x0  }
0x7a: {  	[sflag:s0] =	ssyncadd.s32 @!p0 s1  }
0x7b: {  	[bflag:$0x3] =	sbarrier.arrive $0xFFFF  }
0x7c: {  	_ =	shalt  }

// kernel: sparse-core-data-format-call.cloned.1.call-start
scs
called_computation_lowered:
.L_overlay_start_0:
0x0: {  	s2 =	sld [smem:$0x3FD9]  }
0x1: {  	s3 =	sld [smem:$0x3FFE];
	_ =	sdelay $0x1  }
0x2: {  	s1 =	srdreg.scid  }
0x3: {  	s0 =	sand.u32 $0x1, s1  }
0x4: {  	s18 =	sshll.u32 s0, $0xA;
	s2 =	sadd.s32 s3, s2  }
0x5: {  	s2 =	sadd.s32 s2, s18  }
0x6: {  	[smem:$0x3FC6] =	sst s2  }
0x7: {  	_ = 	snop  }
0x8: {  	s2 =	sld [smem:$0x3FD0];
	(tm) =	ssettm $0x1  }
0x9: {  	s19 =	sld [smem:$0x3FFB];
	_ =	sdelay $0x3  }
0xa: {  	_ =	strace s19  }
0xb: {  	s3 =	sld [smem:$0x3FFC];
	_ =	sdelay $0x3  }
0xc: {  	_ =	strace s3  }
0xd: {  	s3 =	sld [smem:$0x3FFD];
	_ =	sdelay $0x3  }
0xe: {  	_ =	strace s3  }
0xf: {  	_ =	strace $0x8FFFFFFF  }
0x10: {  	s20 =	sld [smem:$0x3FDB];
	_ =	sdelay $0x1  }
0x11: {  	s4 =	simm.s32 $_scs_section_size  }
0x12: {  	s5 =	simm.s32 $_size__tile_overlayer_lowered;
	s6 =	simm.s32 $_tile_overlayer_lowered  }
0x13: {  	s23 =	simm.s32 $0x1BFF;
	s22 =	sshll.u32 s6, $0x1;
	s3 =	sadd.s32 s4, s20  }
0x14: {  	s7 =	simm.s32 $0x0;
	s21 =	sshll.u32 s5, $0x1;
	s5 =	sadd.s32 s22, s3  }
0x15: {  	[timem:s7], [sflag:s23] =	dma.local [hbm:s5], s21  }
0x16: {  	_ =	swait.ge [sflag:s23], s21  }
0x17: {  	s4 =	ssub.s32 $0x0, s21;
	[sflag:s23] =	ssyncset.done $0x0  }
0x18: {  	[sflag:s23] =	ssyncadd.s32 s4;
	_ =	sdelay $0x1  }
0x19: {  	s24 =	simm.s32 $0x1B8B  }
0x1a: {  	_ =	swait.ge [sflag:s24], $0x1  }
0x1b: {  	[sflag:s24] =	ssyncset.done $0x0  }
0x1c: {  	s26 =	simm.s32 $0x1B8E;
	s25 =	sld [smem:$0x3FFE];
	[sflag:s24] =	ssyncadd.s32 $0xFFFFFFFF  }
0x1d: {  	s27 =	simm.s32 $execute0_lowered;
	[smem:$0x3FD2] =	sst s26  }
0x1e: {  	s5 =	sshll.u32 s27, $0x1;
	_ =	strace $0x80000049;
	[dreg:$0x1] =	wrdreg $0xFFFFFFFF  }
0x1f: {  	s28 =	simm.s32 $_size_execute0_lowered;
	s3 =	sadd.s32 s3, s5;
	[dreg:$0x0] =	wrdreg $0x0  }
0x20: {  	s5 =	sshll.u32 s28, $0x1;
	[dreg:$0x2] =	wrdreg s3  }
0x21: {  	[dreg:$0x3] =	wrdreg s5  }
0x22: {  	[dreg:$0x4] =	wrdreg $0xC0  }
0x23: {  	_ =	task [dreg:s7], $0x5FFFF  }
0x24: {  	[dreg:$0x1] =	wrdreg $0xFFFFFFFF  }
0x25: {  	[dreg:$0x0] =	wrdreg $0x60  }
0x26: {  	[dreg:$0x2] =	wrdreg s25  }
0x27: {  	[dreg:$0x3] =	wrdreg s2  }
0x28: {  	[dreg:$0x4] =	wrdreg $0x9  }
0x29: {  	_ =	task.clear_ibuf [dreg:s7], $0x5FFFF;
	_ =	strace $0x90000049  }
0x2a: {  	s29 =	simm.s32 $0x9;
	_ =	strace $0x8000004B  }
0x2b: {  	_ =	swait.ge [sflag:s29], $0x1  }
0x2c: {  	[sflag:s29] =	ssyncadd.s32 $0xFFFFFFFF  }
0x2d: {  	_ =	strace $0x9000004B  }
0x2e: {  	_ =	sfence  }
0x2f: {  	s30 =	sld [smem:$0x0];
	_ =	sdelay $0x2  }
0x30: {  	s31 =	sshll.u32 s1, $0xD;
	s1 =	sshrl.u32 s1, $0x2  }
0x31: {  	s3 =	sand.u32 $0x4000, s31;
	s1 =	sadd.s32 s1, s30  }
0x32: {  	s0 =	sor.u32 s3, s0;
	s1 =	sshll.u32 s1, $0x11  }
0x33: {  	s0 =	sor.u32 s1, s0  }
0x34: {  	s0 =	sadd.s32 $0x8F2B, s0  }
0x35: {  	[sflag:s0] =	ssyncadd.remote.s32 $0x1  }
0x36: {  	_ =	sfence.sel $0xFFFF  }
0x37: {  	[dreg:$0x0] =	wrdreg $0xFFFFFFFF;
	(pc) =	sbr.abs _section_cstart, $3  }
0x38: {  	[dreg:$0x1] =	wrdreg $0xFFFFFFFF  }
0x39: {  	_ =	task.clear_ibuf [dreg:s7], $0x2FFFF;
	_ =	strace $0x9FFFFFFF  }
0x3a: {  	(tm) =	ssettm $0x7FFFFFFF  }
0x3b: {  	_ =	shalt  }
tec
execute0_lowered:
.L_overlay_start_1:
0x0: {  	(tag) =	ssettag $0x1  }
0x1: {  	s0 =	srdreg.scid;
	s6 =	rddreg [dreg:$0x0]  }
0x2: {  	s3 =	rddreg [dreg:$0x1];
	s1 =	sshll.u32 s0, $0x4  }
0x3: {  	s5 =	simm.s32 $0x1;
	s0 =	stileid.u32;
	s1 =	sand.u32 $0x10, s1  }
0x4: {  	s31 =	simm.s32 $0x2;
	s16 =	simm.s32 $0x0;
	s1 =	sor.u32 s0, s1  }
0x5: {  	s8 =	simm.s32 $0x20000;
	s18 =	simm.s32 $0x0;
	s2 =	sshll.u32 s1, $0x7  }
0x6: {  	s17 =	simm.s32 $0x0;
	s9 =	simm.s32 $0x0;
	s4 =	ssub.s32 $0x4000, s2  }
0x7: {  	s10 =	simm.s32 $0x0;
	s11 =	simm.s32 $0x0;
	s30 =	sand.u32 $0xF80, s4  }
0x8: {  	s12 =	simm.s32 $0x0;
	s13 =	simm.s32 $0x0;
	p0 =	sne.s32 s30, $0x0  }
.Ltmp0:
0x9: {  	s7 =	sshrl.u32 s4, $0xC;
	s5 =	simm.s32 @!p0 $0x0;
	(pc) =	sbr.rel .LBB1_1-.Ltmp0, $4  }
0xa: {  	s15 =	simm.s32 $0x0;
	s1 =	rddreg [dreg:$0x2];
	s5 =	sadd.s32 s5, s7  }
0xb: {  	_ =	strace $0x8000004A;
	s4 =	simm.s32 $0x1;
	s5 =	smul.u32 $0x64, s5  }
0xc: {  	s6 =	sadd.s32 $0xA00, s6;
	s14 =	smov.u32 s2;
	[sflag:s4] =	ssyncpa.u1 $0x0  }
0xd: {  	[sflag:s31] =	ssyncpa.u1 $0x0;
	p0 =	por $0x0, $0x0;
	s7 =	sor.u32 $0x1, s5  }
.LBB1_4:
0xe: {  	s23 =	sshra.s32 s23, $0x2;
	s30 =	sshll.u32 s9, $0xE  }
0xf: {  	p1 =	sgt.s32 s10, $0x31;
	s24 =	smov.u32 s10;
	s25 =	sshra.s32 s10, $0x1F  }
0x10: {  	s26 =	sshll.u32 s11, $0x3;
	s28 =	smov.u32 s11;
	s29 =	sshra.s32 s11, $0x1F  }
0x11: {  	s22 =	sadd.s32 s23, s22;
	s24 =	simm.s32 @!p1 $0x31;
	s25 =	sand.u32 s25, s10  }
0x12: {  	s23 =	sand.u32 $0xFFFE0000, s30;
	s27 =	sand.u32 $0xFFFFFC00, s26;
	p1 =	sgt.s32 s9, $0x48  }
0x13: {  	s31 =	sand.u32 s29, s11;
	s29 =	sshll.u32 s9, $0x7;
	s30 =	sshra.s32 s9, $0x1F  }
0x14: {  	[tilespmem:s21+$0x2040 ss:$0x81] =	vst.msk $0xffff, v4;
	s24 =	ssub.s32 s24, s25;
	s23 =	sadd.s32 s27, s23;
	s27 =	smov.u32 s9  }
0x15: {  	[tilespmem:s21+$0x2850 ss:$0x81] =	vst.msk $0xffff, v3;
	s29 =	sand.u32 $0x380, s29;
	s25 =	sadd.s32 $0xFFFFFFCF, s24;
	s27 =	simm.s32 @!p1 $0x48  }
0x16: {  	v5 =	vld [tilespmem:s20+$0xFFFFFFD0];
	[tilespmem:s21+$0x3060 ss:$0x81] =	vst.msk $0xffff, v2;
	p1 =	sgt.s32 s11, $0x3F80;
	s23 =	sshrl.u32 s23, $0xE;
	s24 =	ssub.s32 $0x32, s24  }
0x17: {  	v58 =	vld [tilespmem:s20+$0xFFFFFFE0];
	[tilespmem:s21+$0x0 ss:$0x81] =	vst.msk $0xffff, v1;
	s28 =	simm.s32 @!p1 $0x3F80;
	p1 =	sgt.s32 s25, $0x0;
	s21 =	smulhi.u32 $0x147AE15, s23  }
0x18: {  	v59 =	vld [tilespmem:s20+$0xFFFFFFF0];
	s25 =	ssub.s32 s28, s31;
	s28 =	sand.u32 s30, s9;
	s24 =	simm.s32 @p1 $0x0  }
0x19: {  	v60 =	vld [tilespmem:s20+$0x0];
	s27 =	ssub.s32 s27, s28;
	s31 =	sadd.s32 $0xFFFFC080, s25;
	s25 =	ssub.s32 $0x4000, s25  }
0x1a: {  	v61 =	vld [tilespmem:s20+$0x10];
	[tilespmem:s22+$0x3870 ss:$0x81] =	vst.msk $0xffff, v0;
	s21 =	smul.u32 $0xC8, s21;
	s28 =	sand.u32 $0x7, s11;
	p1 =	sgt.s32 s31, $0x7F  }
0x1b: {  	v62 =	vld [tilespmem:s20+$0x20];
	[tilespmem:s22+$0x810 ss:$0x81] =	vst.msk $0xffff, v5;
	s30 =	sadd.s32 $0xFFFFFFB8, s27;
	s31 =	sand.u32 $0x78, s11;
	s25 =	simm.s32 @p1 $0x0  }
0x1c: {  	v63 =	vld [tilespmem:s20+$0xFFFFFFC0];
	[tilespmem:s22+$0x1020 ss:$0x81] =	vst.msk $0xffff, v58;
	p1 =	sgt.s32 s30, $0x7F;
	s30 =	sand.u32 $0x3C00, s26;
	s24 =	smul.u32 s25, s24  }
0x1d: {  	[tilespmem:s22+$0x1830 ss:$0x81] =	vst.msk $0xffff, v59;
	s26 =	ssub.s32 $0xC8, s27;
	s20 =	sor.u32 s31, s30;
	s31 =	smul.u32 $0x64000, s10  }
0x1e: {  	[tilespmem:s22+$0x2040 ss:$0x81] =	vst.msk $0xffff, v60;
	s21 =	ssub.s32 s23, s21;
	s26 =	simm.s32 @p1 $0x0;
	s20 =	sor.u32 s29, s20  }
0x1f: {  	[tilespmem:s22+$0x2850 ss:$0x81] =	vst.msk $0xffff, v61;
	s26 =	smul.u32 s26, s24;
	s20 =	sshrl.u32 s20, $0x3;
	s27 =	sadd.s32 s3, s31  }
0x20: {  	[tilespmem:s22+$0x3060 ss:$0x81] =	vst.msk $0xffff, v62;
	s21 =	sshll.u32 s21, $0xB;
	s29 =	sshll.u32 s28, $0x12;
	s20 =	sadd.s32 s20, s27  }
0x21: {  	[tilespmem:s22+$0x0 ss:$0x81] =	vst.msk $0xffff, v63;
	s31 =	sor.u32 $0x400, s29;
	s30 =	sand.u32 $0x3FFFFFFF, s26;
	s20 =	sadd.s32 s21, s20  }
0x22: {  	[hbm4b:s20+s31] =	stream.strided.scatter [tilespmem:s19], [sflag:$0x2], s30, s8, s31, $0x20;
	[tilespmem:$0x10100] =	vst v63  }
.LBB1_5:
0x23: {  	p1 =	slt.u32 s15, $0x2  }
0x24: {  	p2 =	sgt.s32 @!p1 s18, $0x31  }
0x25: {  	s19 =	smov.u32 s18;
	s20 =	sshra.s32 @!p1 s18, $0x1F;
	p2 =	por !p2, p1  }
0x26: {  	s18 =	sand.u32 @!p1 s20, s18;
	s19 =	simm.s32 @p2 $0x31  }
0x27: {  	p3 =	sgt.s32 @!p1 s16, $0x48;
	s18 =	ssub.s32 @!p1 s19, s18  }
0x28: {  	p4 =	sgt.s32 @!p1 s17, $0x3F80;
	s21 =	sshra.s32 @!p1 s17, $0x1F;
	s19 =	sadd.s32 @!p1 $0xFFFFFFCF, s18  }
0x29: {  	s20 =	smov.u32 s16;
	p2 =	sgt.s32 @!p1 s19, $0x0;
	s19 =	sshra.s32 @!p1 s16, $0x1F  }
0x2a: {  	p4 =	por !p4, p1;
	s16 =	sand.u32 @!p1 s19, s16;
	s19 =	smov.u32 s17  }
0x2b: {  	p3 =	por !p3, p1;
	s17 =	sand.u32 @!p1 s21, s17;
	s19 =	simm.s32 @p4 $0x3F80  }
0x2c: {  	s20 =	simm.s32 @p3 $0x48;
	s18 =	ssub.s32 @!p1 $0x32, s18;
	s17 =	ssub.s32 @!p1 s19, s17  }
0x2d: {  	p2 =	por !p2, p1;
	s16 =	ssub.s32 @!p1 s20, s16;
	s20 =	sadd.s32 @!p1 $0xFFFFC080, s17  }
0x2e: {  	s18 =	simm.s32 @!p2 $0x0;
	p3 =	sgt.s32 @!p1 s20, $0x7F  }
0x2f: {  	s19 =	sadd.s32 @!p1 $0xFFFFFFB8, s16;
	s17 =	ssub.s32 @!p1 $0x4000, s17;
	p3 =	por !p3, p1  }
0x30: {  	p2 =	sgt.s32 @!p1 s19, $0x7F;
	s19 =	sadd.s32 $0x80, s12;
	s17 =	simm.s32 @!p3 $0x0  }
0x31: {  	p3 =	sgt.s32 s19, $0xC7;
	s17 =	smul.u32 @!p1 s17, s18;
	s18 =	simm.s32 $0x1  }
0x32: {  	s16 =	ssub.s32 @!p1 $0xC8, s16;
	p2 =	por !p2, p1;
	s18 =	simm.s32 @!p3 $0x0  }
0x33: {  	s21 =	smov.u32 s14;
	s16 =	simm.s32 @!p2 $0x0;
	s20 =	sadd.s32 s18, s13  }
0x34: {  	s16 =	smul.u32 @!p1 s16, s17;
	s17 =	sadd.s32 $0x1000, s14;
	p2 =	sgt.s32 s20, $0x31  }
0x35: {  	p0 =	por !p0, !p0;
	s22 =	simm.s32 @!p1 $0x2;
	s21 =	smov.u32 @p2 s17  }
0x36: {  	s19 =	simm.s32 @p3 $0x0;
	s20 =	simm.s32 @p2 $0x0;
	p2 =	sgt.s32 s21, $0x3FFF  }
0x37: {  	s18 =	smov.u32 s10;
	s21 =	smov.u32 @p2 s2;
	p2 =	sne.s32 s15, s7  }
.Ltmp1:
0x38: {  	s10 =	smov.u32 s13;
	s16 =	sand.u32 @!p1 $0x3FFFFFFF, s16;
	(pc) =	sbr.rel @!p2 .LBB1_6-.Ltmp1, $4  }
0x39: {  	s17 =	smov.u32 s11;
	s11 =	smov.u32 s14;
	_ =	swait.ge @!p1 [sflag:s22], s16  }
0x3a: {  	s23 =	ssub.s32 @!p1 $0x0, s16;
	s16 =	smov.u32 s9;
	s9 =	smov.u32 s12  }
0x3b: {  	s12 =	smov.u32 s19;
	s13 =	smov.u32 s20;
	[sflag:s22] =	ssyncset.done @!p1 $0x0  }
0x3c: {  	s15 =	sadd.s32 $0x1, s15;
	[sflag:s22] =	ssyncadd.s32 @!p1 s23;
	s14 =	smov.u32 s21  }
.LBB1_1:
0x3d: {  	p1 =	sge.u32 s15, s5  }
0x3e: {  	s19 =	sshll.u32 @!p1 s13, $0x8;
	s20 =	sshll.u32 @!p1 s12, $0x3  }
0x3f: {  	s21 =	sshll.u32 @!p1 s13, $0x7;
	s19 =	sand.u32 @!p1 $0xFFFFF800, s19;
	s20 =	sand.u32 @!p1 $0xFFFFFC00, s20  }
0x40: {  	s19 =	sadd.s32 @!p1 s19, s20;
	s20 =	sand.u32 @!p1 $0x300, s21  }
0x41: {  	s19 =	sor.u32 @!p1 s20, s19  }
0x42: {  	s19 =	sshrl.u32 @!p1 s19, $0x8  }
0x43: {  	s31 =	sadd.s32 $0xFFFFFFFF, s15;
	s20 =	smulhi.u32 @!p1 $0x4924925, s19  }
0x44: {  	s22 =	sxor.u32 @!p1 $0xFFFFFFFF, s15;
	s23 =	sand.u32 @!p1 $0x78, s12;
	s24 =	smul.u32 @!p1 $0x700, s14  }
0x45: {  	s22 =	sshll.u32 @!p1 s22, $0xE;
	s21 =	sand.u32 @!p1 $0x80, s21;
	s20 =	smul.u32 @!p1 $0x38, s20  }
0x46: {  	s22 =	sand.u32 @!p1 $0x4000, s22;
	s21 =	sor.u32 @!p1 s23, s21;
	s23 =	sand.u32 @!p1 $0x7, s12  }
0x47: {  	s19 =	ssub.s32 @!p1 s19, s20;
	s20 =	sshrl.u32 @!p1 s21, $0x3;
	s21 =	sadd.s32 @!p1 s6, s24  }
0x48: {  	s19 =	sshll.u32 @!p1 s19, $0x5;
	s20 =	sadd.s32 @!p1 s20, s21;
	s21 =	sshll.u32 @!p1 s23, $0x12  }
0x49: {  	s19 =	sadd.s32 @!p1 s19, s20;
	s20 =	sor.u32 @!p1 $0x80, s21;
	s21 =	simm.s32 @!p1 $0x3800  }
0x4a: {  	[tilespmem:s22], [sflag:$0x1] =	stream.strided.gather @!p1 [hbm4b:s19+s20], $0x4000, s21, s20, $0x38;
	[tilespmem:$0x10100] =	vst v63  }
0x4b: {  	p1 =	sge.u32 s31, s5  }
.Ltmp2:
0x4c: {  	_ = 	snop;
	(pc) =	sbr.rel @p1 .LBB1_5-.Ltmp2, $1  }
0x4d: {  	_ =	sdelay $0x3  }
0x4e: {  	s19 =	simm.s32 $0x1  }
0x4f: {  	_ =	swait.ge [sflag:s4], $0x4000;
	s19 =	simm.s32 @!p0 $0x0  }
0x50: {  	[sflag:s4] =	ssyncset.done $0x0;
	s20 =	sshll.u32 s19, $0xE  }
0x51: {  	[sflag:s4] =	ssyncadd.s32 $0xFFFFC000;
	s20 =	sor.u32 $0x40, s20  }
0x52: {  	s19 =	smul.u32 $0x10200, s19;
	v0 =	vld [tilespmem:s20+$0x30]  }
0x53: {  	v1 =	vld [tilespmem:s20+$0xFFFFFFD0]  }
0x54: {  	s19 =	sshrl.u32 s19, $0x2;
	v5 =	vld [tilespmem:s20+$0xFFFFFFE0]  }
0x55: {  	v6 =	vld [tilespmem:s20+$0xFFFFFFF0];
	s22 =	sor.u32 $0x8000, s19  }
0x56: {  	s31 =	sand.u32 $0x1, s15;
	v4 =	vld [tilespmem:s20+$0x0];
	s21 =	sadd.s32 $0x0, s22  }
0x57: {  	v3 =	vld [tilespmem:s20+$0x10];
	s19 =	smul.u32 $0x10200, s31;
	[tilespmem:s21+$0x3870 ss:$0x81] =	vst.msk $0xffff, v0  }
0x58: {  	v2 =	vld [tilespmem:s20+$0x20];
	[tilespmem:s21+$0x810 ss:$0x81] =	vst.msk $0xffff, v1  }
0x59: {  	s19 =	sshrl.u32 s19, $0x2;
	v1 =	vld [tilespmem:s20+$0xFFFFFFC0];
	[tilespmem:s21+$0x1020 ss:$0x81] =	vst.msk $0xffff, v5;
	s20 =	sadd.s32 $0x80, s20  }
0x5a: {  	s23 =	simm.s32 $0x4;
	s24 =	simm.s32 $0x8;
	s19 =	sor.u32 $0x8000, s19;
	[tilespmem:s21+$0x1830 ss:$0x81] =	vst.msk $0xffff, v6;
	v0 =	vld [tilespmem:s20+$0x30]  }
.LBB1_3:
0x5b: {  	p1 =	sne.s32 s24, $0x1FC;
	v5 =	vld [tilespmem:s20+$0xFFFFFFD0];
	[tilespmem:s21+$0x2040 ss:$0x81] =	vst.msk $0xffff, v4  }
0x5c: {  	v6 =	vld [tilespmem:s20+$0xFFFFFFE0];
	[tilespmem:s21+$0x2850 ss:$0x81] =	vst.msk $0xffff, v3  }
0x5d: {  	s25 =	sshra.s32 s23, $0x2;
	s23 =	smov.u32 s24;
	v7 =	vld [tilespmem:s20+$0xFFFFFFF0];
	[tilespmem:s21+$0x3060 ss:$0x81] =	vst.msk $0xffff, v2  }
.Ltmp3:
0x5e: {  	v4 =	vld [tilespmem:s20+$0x0];
	[tilespmem:s21+$0x0 ss:$0x81] =	vst.msk $0xffff, v1;
	s21 =	sadd.s32 s25, s22;
	(pc) =	sbr.rel @p1 .LBB1_3-.Ltmp3, $4  }
0x5f: {  	v3 =	vld [tilespmem:s20+$0x10];
	[tilespmem:s21+$0x3870 ss:$0x81] =	vst.msk $0xffff, v0  }
0x60: {  	[tilespmem:s21+$0x810 ss:$0x81] =	vst.msk $0xffff, v5;
	v2 =	vld [tilespmem:s20+$0x20]  }
0x61: {  	v1 =	vld [tilespmem:s20+$0xFFFFFFC0];
	[tilespmem:s21+$0x1020 ss:$0x81] =	vst.msk $0xffff, v6;
	s20 =	sadd.s32 $0x80, s20  }
0x62: {  	s24 =	sadd.s32 $0x4, s24;
	v0 =	vld [tilespmem:s20+$0x30];
	[tilespmem:s21+$0x1830 ss:$0x81] =	vst.msk $0xffff, v7  }
.Ltmp4:
0x63: {  	_ = 	snop;
	(pc) =	sbr.rel .LBB1_4-.Ltmp4, $1  }
0x64: {  	_ =	sdelay $0x3  }
.LBB1_6:
0x65: {  	_ =	sfence.sel $0x180000  }
0x66: {  	s2 =	simm.s32 $0x1;
	[bflag:$0x0] =	sbarrier.arrive $0xFFFF  }
0x67: {  	s31 =	simm.s32 $0x2;
	[sflag:s2] =	ssyncpa.u1 $0x1  }
0x68: {  	[sflag:s31] =	ssyncpa.u1 $0x1  }
0x69: {  	p0 =	sne.s32 s0, $0x0;
	_ =	strace $0x9000004A  }
0x6a: {  	s0 =	sadd.s32 @!p0 $0x100000, s1;
	[bflag:$0x2] =	sbarrier.arrive $0xFFFF  }
0x6b: {  	[sflag:s0] =	ssyncadd.tile.s32 @!p0 $0x1;
	_ =	shalt  }
.Lfunc_end1:
_tile_overlayer_lowered:
.L_overlay_start_2:
0x6c: {  	(tag) =	ssettag $0x2  }
0x6d: {  	s0 =	rddreg [dreg:$0x0];
	s2 =	stileid.u32  }
0x6e: {  	s1 =	rddreg [dreg:$0x1];
	p0 =	sne.s32 s2, $0x0  }
0x6f: {  	s3 =	rddreg [dreg:$0x2];
	[bflag:$0x3] =	sbarrier.arrive $0xFFFF;
	s2 =	simm.s32 @!p0 $0x1C01  }
0x70: {  	[timem:s3], [sflag:s2] =	dma.local @!p0 [hbm:s0], s1  }
0x71: {  	s0 =	simm.s32 @!p0 $0x1  }
0x72: {  	_ =	swait.ge @!p0 [sflag:s0], s1  }
0x73: {  	s1 =	ssub.s32 @!p0 $0x0, s1;
	[sflag:s0] =	ssyncset.done @!p0 $0x0  }
0x74: {  	[sflag:s0] =	ssyncadd.s32 @!p0 s1  }
0x75: {  	[bflag:$0x3] =	sbarrier.arrive $0xFFFF  }
0x76: {  	_ =	shalt  }

</sc_bundles>
